<compile_context>
chip_gen: v7x
topology: tpu7x:2x2x1
jax: 0.10.2.dev20260603
libtpu: 0.0.44.dev20260713+nightly
codegen_flags: <defaults>
</compile_context>

<pallas_src>
import functools

import jax
import jax.numpy as jnp
from jax import lax
from jax.experimental import pallas as pl
from jax.experimental.pallas import tpu as pltpu
from jax.experimental.pallas import tpu_sc as plsc

_N_DATA = 1000000
_EMBED_DIM = 32
_HIDDENS = 128
_OUTPUT_DIM = 64
_BATCH = 16384
_LANES = 128

_NC = 2
_NS = 16
_NW = _NC * _NS
_B_PER_W = _BATCH // _NW
_WSZ = 8
_N_WIN = _B_PER_W // _WSZ


def _make_sc_gather():
    mesh = plsc.VectorSubcoreMesh(core_axis_name="c", subcore_axis_name="s")

    @functools.partial(
        pl.kernel,
        mesh=mesh,
        compiler_params=pltpu.CompilerParams(needs_layout_passes=False),
        out_type=jax.ShapeDtypeStruct((_BATCH * _EMBED_DIM,), jnp.float32),
        scratch_types=[
            pltpu.VMEM((_B_PER_W + 16,), jnp.int32),
            pltpu.VMEM((2, _WSZ, _EMBED_DIM, _LANES), jnp.float32),
            pltpu.VMEM((_B_PER_W * _EMBED_DIM,), jnp.float32),
            pltpu.SemaphoreType.DMA,
        ],
    )
    def gather_kernel(tableT_hbm, idx_hbm, out_hbm, idx_v, blk_v, rows_v, sem):
        wid = lax.axis_index("s") * _NC + lax.axis_index("c")
        base = wid * _B_PER_W
        pltpu.sync_copy(idx_hbm.at[pl.ds(base, _B_PER_W)],
                        idx_v.at[pl.ds(0, _B_PER_W)])
        lane = lax.iota(jnp.int32, 16)

        def _issue(w, b):
            v = idx_v[pl.ds(w * _WSZ, 16)]
            for l in range(_WSZ):
                gt = v[l] >> 7
                pltpu.async_copy(
                    tableT_hbm.at[:, pl.ds(pl.multiple_of(gt * _LANES, _LANES),
                                           _LANES)],
                    blk_v.at[b, l], sem)

        def _drain_extract(w, b):
            v = idx_v[pl.ds(w * _WSZ, 16)]
            bv = jnp.full((16,), b, jnp.int32)
            for l in range(_WSZ):
                pltpu.make_async_copy(
                    tableT_hbm.at[:, pl.ds(0, _LANES)],
                    blk_v.at[b, l], sem).wait()
                gr = jnp.full((16,), v[l] & (_LANES - 1), jnp.int32)
                sv = jnp.full((16,), l, jnp.int32)
                lo = plsc.load_gather(blk_v, [bv, sv, lane, gr])
                hi = plsc.load_gather(blk_v, [bv, sv, lane + 16, gr])
                rows_v[pl.ds((w * _WSZ + l) * _EMBED_DIM, 16)] = lo
                rows_v[pl.ds((w * _WSZ + l) * _EMBED_DIM + 16, 16)] = hi

        @pl.loop(0, _N_WIN)
        def _win(w):
            b = lax.rem(w, 2)

            @pl.when(w == 0)
            def _():
                _issue(w, b)

            @pl.when(w + 1 < _N_WIN)
            def _():
                _issue(w + 1, 1 - b)

            _drain_extract(w, b)

        pltpu.sync_copy(
            rows_v, out_hbm.at[pl.ds(base * _EMBED_DIM, _B_PER_W * _EMBED_DIM)])

    return gather_kernel


_sc_gather = _make_sc_gather()


_PACK = 4
_ROWS4 = _BATCH // _PACK


def _mlp_body(x_ref, w1_ref, b1_ref, w2T_ref, b2_ref, oT_ref):
    blk = x_ref.shape[0]
    h4 = jnp.tanh(
        jnp.dot(x_ref[...], w1_ref[...], preferred_element_type=jnp.float32)
        + b1_ref[...])
    h = h4.reshape(blk * _PACK, _HIDDENS)
    oT_ref[...] = jax.nn.sigmoid(
        lax.dot_general(w2T_ref[...], h, (((1,), (1,)), ((), ())),
                        preferred_element_type=jnp.float32)
        + b2_ref[...])


def _mlp(emb4, W1big, b1big, W2T, b2col):
    blk = 2048
    grid = (_ROWS4 // blk,)
    return pl.pallas_call(
        _mlp_body,
        grid=grid,
        in_specs=[
            pl.BlockSpec((blk, _PACK * _EMBED_DIM), lambda i: (i, 0)),
            pl.BlockSpec((_PACK * _EMBED_DIM, _PACK * _HIDDENS),
                         lambda i: (0, 0)),
            pl.BlockSpec((1, _PACK * _HIDDENS), lambda i: (0, 0)),
            pl.BlockSpec((_OUTPUT_DIM, _HIDDENS), lambda i: (0, 0)),
            pl.BlockSpec((_OUTPUT_DIM, 1), lambda i: (0, 0)),
        ],
        out_specs=pl.BlockSpec((_OUTPUT_DIM, blk * _PACK), lambda i: (0, i)),
        out_shape=jax.ShapeDtypeStruct((_OUTPUT_DIM, _BATCH), jnp.float32),
    )(emb4, W1big, b1big, W2T, b2col)


def _block_diag(W, k):
    m, n = W.shape
    out = W[None, :, None, :] * jnp.eye(k, dtype=W.dtype)[:, None, :, None]
    return out.reshape(k * m, k * n)


def kernel(i, table, W1, b1, W2, b2):
    emb4 = _sc_gather(table.T, i.astype(jnp.int32)).reshape(
        _ROWS4, _PACK * _EMBED_DIM)
    W1big = _block_diag(W1, _PACK)
    b1big = jnp.tile(b1, _PACK).reshape(1, _PACK * _HIDDENS)
    outT = _mlp(emb4, W1big, b1big, W2.T, b2.reshape(_OUTPUT_DIM, 1))
    return outT.T

# --- scband reference (transcript-rebuilt; emitter-appended) ---
"""Pipeline reference for scband-embedder-decoder-30408368456334 (READ-ONLY COPY).

The authoritative reference and input builder live on the scoring server;
editing this copy changes nothing except your own understanding.
"""

import jax, jax.numpy as jnp
import numpy as np

N_DATA = 1000000
EMBED_DIM = 32
HIDDENS = 128
OUTPUT_DIM = 64
BATCH = 16384


def setup_inputs(seed: int = 0) -> dict:
    key = jax.random.key(seed)
    k_i, k_tab, k_w1, k_b1, k_w2, k_b2 = jax.random.split(key, 6)
    i = jax.random.randint(k_i, (BATCH,), 0, N_DATA, dtype=jnp.int64 if jax.config.jax_enable_x64 else jnp.int32)
    # nn.Embedding default init: N(0, 1)
    table = jax.random.normal(k_tab, (N_DATA, EMBED_DIM), dtype=jnp.float32)
    # nn.Linear default init: U(-1/sqrt(fan_in), 1/sqrt(fan_in))
    lim1 = 1.0 / np.sqrt(EMBED_DIM)
    W1 = jax.random.uniform(k_w1, (EMBED_DIM, HIDDENS), minval=-lim1, maxval=lim1, dtype=jnp.float32)
    b1 = jax.random.uniform(k_b1, (HIDDENS,), minval=-lim1, maxval=lim1, dtype=jnp.float32)
    lim2 = 1.0 / np.sqrt(HIDDENS)
    W2 = jax.random.uniform(k_w2, (HIDDENS, OUTPUT_DIM), minval=-lim2, maxval=lim2, dtype=jnp.float32)
    b2 = jax.random.uniform(k_b2, (OUTPUT_DIM,), minval=-lim2, maxval=lim2, dtype=jnp.float32)
    return {"i": i, "table": table, "W1": W1, "b1": b1, "W2": W2, "b2": b2}


def reference(i, table, W1, b1, W2, b2):
    # embedding lookup (memory-bound gather)
    emb = jnp.take(table, i, axis=0)
    # decoder: Linear -> Tanh -> Linear -> Sigmoid
    h = jnp.tanh(emb @ W1 + b1)
    out = jax.nn.sigmoid(h @ W2 + b2)
    return out

if __name__ == "__main__":
    import jax
    _d = setup_inputs()
    print(jax.jit(kernel)(*tuple(_d.values())))

</pallas_src>

<mosaic_0001>
#map = affine_map<(d0, d1) -> (0, 0)>
#map1 = affine_map<(d0, d1) -> (0)>
module attributes {stable_mosaic.version = 14 : i64} {
  func.func @gather_kernel(%arg0: i32, %arg1: i32, %arg2: memref<32x1000000xf32, #tpu.memory_space<hbm>>, %arg3: memref<16384xi32, #tpu.memory_space<hbm>>, %arg4: memref<524288xf32, #tpu.memory_space<hbm>>, %arg5: memref<528xi32, #tpu.memory_space<vmem>>, %arg6: memref<2x8x32x128xf32, #tpu.memory_space<vmem>>, %arg7: memref<16384xf32, #tpu.memory_space<vmem>>, %arg8: memref<!tpu.dma_semaphore, #tpu.memory_space<semaphore_mem>>) attributes {dimension_semantics = [#tpu.dimension_semantics<core_parallel>, #tpu.dimension_semantics<subcore_parallel>], iteration_bounds = array<i64: 2, 16>, scalar_prefetch = 0 : i64, scratch_operands = 4 : i64, tpu.core_type = #tpu.core_type<sc_vector_subcore>, window_params = [{transform_indices = #map}, {transform_indices = #map1}, {transform_indices = #map1}]} {
    %mul3A = arith.constant 2 : i32
    %mul3A_0 = arith.muli %arg1, %mul3A : i32
    %add3A = arith.addi %mul3A_0, %arg0 : i32
    %mul3A_1 = arith.constant 512 : i32
    %mul3A_2 = arith.muli %add3A, %mul3A_1 : i32
    "tpu.region"() ({
      %run_scoped3A = tpu.sem_alloc : memref<!tpu.dma_semaphore, #tpu.memory_space<semaphore_mem>>
      %dma_start3A = arith.constant 0 : i32
      %dma_start3A_9 = tpu.memref_slice %arg5[%dma_start3A] : memref<528xi32, #tpu.memory_space<vmem>> -> memref<512xi32, #tpu.memory_space<vmem>>
      %dma_start3A_10 = tpu.memref_slice %arg3[%mul3A_2] : memref<16384xi32, #tpu.memory_space<hbm>> -> memref<512xi32, #tpu.memory_space<hbm>>
      %dma_start3A_11 = arith.constant 0 : i32
      %dma_start3A_12 = tpu.memref_slice %arg5[%dma_start3A_11] : memref<528xi32, #tpu.memory_space<vmem>> -> memref<512xi32, #tpu.memory_space<vmem>>
      %dma_start3A_13 = tpu.memref_slice %arg3[%mul3A_2] : memref<16384xi32, #tpu.memory_space<hbm>> -> memref<512xi32, #tpu.memory_space<hbm>>
      tpu.enqueue_dma source(%dma_start3A_13 : memref<512xi32, #tpu.memory_space<hbm>>) target(%dma_start3A_12 : memref<512xi32, #tpu.memory_space<vmem>>) target_semaphore(%run_scoped3A : memref<!tpu.dma_semaphore, #tpu.memory_space<semaphore_mem>>)
      %dma_wait3A = arith.constant 0 : i32
      %dma_wait3A_14 = tpu.memref_slice %arg5[%dma_wait3A] : memref<528xi32, #tpu.memory_space<vmem>> -> memref<512xi32, #tpu.memory_space<vmem>>
      %dma_wait3A_15 = tpu.memref_slice %arg3[%mul3A_2] : memref<16384xi32, #tpu.memory_space<hbm>> -> memref<512xi32, #tpu.memory_space<hbm>>
      %dma_wait3A_16 = arith.constant 0 : i32
      %dma_wait3A_17 = tpu.memref_slice %arg5[%dma_wait3A_16] : memref<528xi32, #tpu.memory_space<vmem>> -> memref<512xi32, #tpu.memory_space<vmem>>
      %dma_wait3A_18 = tpu.memref_slice %arg3[%mul3A_2] : memref<16384xi32, #tpu.memory_space<hbm>> -> memref<512xi32, #tpu.memory_space<hbm>>
      tpu.wait_dma2 semaphore(%run_scoped3A : memref<!tpu.dma_semaphore, #tpu.memory_space<semaphore_mem>>) src(%dma_wait3A_18 : memref<512xi32, #tpu.memory_space<hbm>>) dst(%dma_wait3A_17 : memref<512xi32, #tpu.memory_space<vmem>>)
      tpu.yield
    }) : () -> ()
    %iota3A = tpu.iota {dimensions = array<i32: 0>} : vector<16xi32>
    %scan3A = arith.constant 0 : i32
    %scan3A_3 = arith.constant 64 : i32
    %scan3A_4 = arith.addi %scan3A, %scan3A_3 : i32
    %scan3A_5 = arith.constant 1 : i32
    scf.for %scan3A_9 = %scan3A to %scan3A_4 step %scan3A_5  : i32 {
      %mul3A_10 = arith.constant 1 : i32
      %mul3A_11 = arith.muli %scan3A_9, %mul3A_10 : i32
      %add3A_12 = arith.constant 0 : i32
      %add3A_13 = arith.addi %add3A_12, %mul3A_11 : i32
      %rem3A = arith.constant 2 : i32
      %rem3A_14 = arith.remsi %add3A_13, %rem3A : i32
      %eq3A = arith.constant 0 : i32
      %eq3A_15 = arith.cmpi eq, %add3A_13, %eq3A : i32
      %convert_element_type3A = arith.extui %eq3A_15 : i1 to i32
      %cond3A = arith.constant 0 : i32
      %cond3A_16 = arith.cmpi ne, %convert_element_type3A, %cond3A : i32
      scf.if %cond3A_16 {
        %mul3A_380 = arith.constant 8 : i32
        %mul3A_381 = arith.muli %add3A_13, %mul3A_380 : i32
        %get3A_382 = arith.index_cast %mul3A_381 : i32 to index
        %get3A_383 = tpu.vector_load %arg5[%get3A_382] {strides = array<i32>} : memref<528xi32, #tpu.memory_space<vmem>>, vector<16xi32>,
        %slice3A_384 = vector.extract_strided_slice %get3A_383 {offsets = [0], sizes = [1], strides = [1]} : vector<16xi32> to vector<1xi32>
        %squeeze3A_385 = vector.extract %slice3A_384[0] : i32 from vector<1xi32>
        %shift_right_arithmetic3A = arith.constant 7 : i32
        %shift_right_arithmetic3A_386 = arith.shrsi %squeeze3A_385, %shift_right_arithmetic3A : i32
        %mul3A_387 = arith.constant 128 : i32
        %mul3A_388 = arith.muli %shift_right_arithmetic3A_386, %mul3A_387 : i32
        %multiple_of3A = tpu.assume_multiple %mul3A_388, 128 : i32
        %dma_start3A = arith.constant 0 : i32
        %dma_start3A_389 = arith.constant 0 : i32
        %dma_start3A_390 = arith.constant 0 : i32
        %dma_start3A_391 = tpu.memref_slice %arg6[%rem3A_14, %dma_start3A, %dma_start3A_389, %dma_start3A_390] : memref<2x8x32x128xf32, #tpu.memory_space<vmem>> -> memref<1x1x32x128xf32, #tpu.memory_space<vmem>>
        %dma_start3A_392 = tpu.memref_squeeze %dma_start3A_391 : memref<1x1x32x128xf32, #tpu.memory_space<vmem>> -> memref<32x128xf32, #tpu.memory_space<vmem>>
        %dma_start3A_393 = arith.constant 0 : i32
        %dma_start3A_394 = tpu.memref_slice %arg2[%dma_start3A_393, %multiple_of3A] : memref<32x1000000xf32, #tpu.memory_space<hbm>> -> memref<32x128xf32, #tpu.memory_space<hbm>>
        %dma_start3A_395 = arith.constant 0 : i32
        %dma_start3A_396 = arith.constant 0 : i32
        %dma_start3A_397 = tpu.memref_slice %arg6[%rem3A_14, %dma_start3A, %dma_start3A_395, %dma_start3A_396] : memref<2x8x32x128xf32, #tpu.memory_space<vmem>> -> memref<1x1x32x128xf32, #tpu.memory_space<vmem>>
        %dma_start3A_398 = tpu.memref_squeeze %dma_start3A_397 : memref<1x1x32x128xf32, #tpu.memory_space<vmem>> -> memref<32x128xf32, #tpu.memory_space<vmem>>
        %dma_start3A_399 = arith.constant 0 : i32
        %dma_start3A_400 = tpu.memref_slice %arg2[%dma_start3A_399, %multiple_of3A] : memref<32x1000000xf32, #tpu.memory_space<hbm>> -> memref<32x128xf32, #tpu.memory_space<hbm>>
        tpu.enqueue_dma source(%dma_start3A_400 : memref<32x128xf32, #tpu.memory_space<hbm>>) target(%dma_start3A_398 : memref<32x128xf32, #tpu.memory_space<vmem>>) target_semaphore(%arg8 : memref<!tpu.dma_semaphore, #tpu.memory_space<semaphore_mem>>)
        %slice3A_401 = vector.extract_strided_slice %get3A_383 {offsets = [1], sizes = [1], strides = [1]} : vector<16xi32> to vector<1xi32>
        %squeeze3A_402 = vector.extract %slice3A_401[0] : i32 from vector<1xi32>
        %shift_right_arithmetic3A_403 = arith.constant 7 : i32
        %shift_right_arithmetic3A_404 = arith.shrsi %squeeze3A_402, %shift_right_arithmetic3A_403 : i32
        %mul3A_405 = arith.constant 128 : i32
        %mul3A_406 = arith.muli %shift_right_arithmetic3A_404, %mul3A_405 : i32
        %multiple_of3A_407 = tpu.assume_multiple %mul3A_406, 128 : i32
        %dma_start3A_408 = arith.constant 1 : i32
        %dma_start3A_409 = arith.constant 0 : i32
        %dma_start3A_410 = arith.constant 0 : i32
        %dma_start3A_411 = tpu.memref_slice %arg6[%rem3A_14, %dma_start3A_408, %dma_start3A_409, %dma_start3A_410] : memref<2x8x32x128xf32, #tpu.memory_space<vmem>> -> memref<1x1x32x128xf32, #tpu.memory_space<vmem>>
        %dma_start3A_412 = tpu.memref_squeeze %dma_start3A_411 : memref<1x1x32x128xf32, #tpu.memory_space<vmem>> -> memref<32x128xf32, #tpu.memory_space<vmem>>
        %dma_start3A_413 = arith.constant 0 : i32
        %dma_start3A_414 = tpu.memref_slice %arg2[%dma_start3A_413, %multiple_of3A_407] : memref<32x1000000xf32, #tpu.memory_space<hbm>> -> memref<32x128xf32, #tpu.memory_space<hbm>>
        %dma_start3A_415 = arith.constant 0 : i32
        %dma_start3A_416 = arith.constant 0 : i32
        %dma_start3A_417 = tpu.memref_slice %arg6[%rem3A_14, %dma_start3A_408, %dma_start3A_415, %dma_start3A_416] : memref<2x8x32x128xf32, #tpu.memory_space<vmem>> -> memref<1x1x32x128xf32, #tpu.memory_space<vmem>>
        %dma_start3A_418 = tpu.memref_squeeze %dma_start3A_417 : memref<1x1x32x128xf32, #tpu.memory_space<vmem>> -> memref<32x128xf32, #tpu.memory_space<vmem>>
        %dma_start3A_419 = arith.constant 0 : i32
        %dma_start3A_420 = tpu.memref_slice %arg2[%dma_start3A_419, %multiple_of3A_407] : memref<32x1000000xf32, #tpu.memory_space<hbm>> -> memref<32x128xf32, #tpu.memory_space<hbm>>
        tpu.enqueue_dma source(%dma_start3A_420 : memref<32x128xf32, #tpu.memory_space<hbm>>) target(%dma_start3A_418 : memref<32x128xf32, #tpu.memory_space<vmem>>) target_semaphore(%arg8 : memref<!tpu.dma_semaphore, #tpu.memory_space<semaphore_mem>>)
        %slice3A_421 = vector.extract_strided_slice %get3A_383 {offsets = [2], sizes = [1], strides = [1]} : vector<16xi32> to vector<1xi32>
        %squeeze3A_422 = vector.extract %slice3A_421[0] : i32 from vector<1xi32>
        %shift_right_arithmetic3A_423 = arith.constant 7 : i32
        %shift_right_arithmetic3A_424 = arith.shrsi %squeeze3A_422, %shift_right_arithmetic3A_423 : i32
        %mul3A_425 = arith.constant 128 : i32
        %mul3A_426 = arith.muli %shift_right_arithmetic3A_424, %mul3A_425 : i32
        %multiple_of3A_427 = tpu.assume_multiple %mul3A_426, 128 : i32
        %dma_start3A_428 = arith.constant 2 : i32
        %dma_start3A_429 = arith.constant 0 : i32
        %dma_start3A_430 = arith.constant 0 : i32
        %dma_start3A_431 = tpu.memref_slice %arg6[%rem3A_14, %dma_start3A_428, %dma_start3A_429, %dma_start3A_430] : memref<2x8x32x128xf32, #tpu.memory_space<vmem>> -> memref<1x1x32x128xf32, #tpu.memory_space<vmem>>
        %dma_start3A_432 = tpu.memref_squeeze %dma_start3A_431 : memref<1x1x32x128xf32, #tpu.memory_space<vmem>> -> memref<32x128xf32, #tpu.memory_space<vmem>>
        %dma_start3A_433 = arith.constant 0 : i32
        %dma_start3A_434 = tpu.memref_slice %arg2[%dma_start3A_433, %multiple_of3A_427] : memref<32x1000000xf32, #tpu.memory_space<hbm>> -> memref<32x128xf32, #tpu.memory_space<hbm>>
        %dma_start3A_435 = arith.constant 0 : i32
        %dma_start3A_436 = arith.constant 0 : i32
        %dma_start3A_437 = tpu.memref_slice %arg6[%rem3A_14, %dma_start3A_428, %dma_start3A_435, %dma_start3A_436] : memref<2x8x32x128xf32, #tpu.memory_space<vmem>> -> memref<1x1x32x128xf32, #tpu.memory_space<vmem>>
        %dma_start3A_438 = tpu.memref_squeeze %dma_start3A_437 : memref<1x1x32x128xf32, #tpu.memory_space<vmem>> -> memref<32x128xf32, #tpu.memory_space<vmem>>
        %dma_start3A_439 = arith.constant 0 : i32
        %dma_start3A_440 = tpu.memref_slice %arg2[%dma_start3A_439, %multiple_of3A_427] : memref<32x1000000xf32, #tpu.memory_space<hbm>> -> memref<32x128xf32, #tpu.memory_space<hbm>>
        tpu.enqueue_dma source(%dma_start3A_440 : memref<32x128xf32, #tpu.memory_space<hbm>>) target(%dma_start3A_438 : memref<32x128xf32, #tpu.memory_space<vmem>>) target_semaphore(%arg8 : memref<!tpu.dma_semaphore, #tpu.memory_space<semaphore_mem>>)
        %slice3A_441 = vector.extract_strided_slice %get3A_383 {offsets = [3], sizes = [1], strides = [1]} : vector<16xi32> to vector<1xi32>
        %squeeze3A_442 = vector.extract %slice3A_441[0] : i32 from vector<1xi32>
        %shift_right_arithmetic3A_443 = arith.constant 7 : i32
        %shift_right_arithmetic3A_444 = arith.shrsi %squeeze3A_442, %shift_right_arithmetic3A_443 : i32
        %mul3A_445 = arith.constant 128 : i32
        %mul3A_446 = arith.muli %shift_right_arithmetic3A_444, %mul3A_445 : i32
        %multiple_of3A_447 = tpu.assume_multiple %mul3A_446, 128 : i32
        %dma_start3A_448 = arith.constant 3 : i32
        %dma_start3A_449 = arith.constant 0 : i32
        %dma_start3A_450 = arith.constant 0 : i32
        %dma_start3A_451 = tpu.memref_slice %arg6[%rem3A_14, %dma_start3A_448, %dma_start3A_449, %dma_start3A_450] : memref<2x8x32x128xf32, #tpu.memory_space<vmem>> -> memref<1x1x32x128xf32, #tpu.memory_space<vmem>>
        %dma_start3A_452 = tpu.memref_squeeze %dma_start3A_451 : memref<1x1x32x128xf32, #tpu.memory_space<vmem>> -> memref<32x128xf32, #tpu.memory_space<vmem>>
        %dma_start3A_453 = arith.constant 0 : i32
        %dma_start3A_454 = tpu.memref_slice %arg2[%dma_start3A_453, %multiple_of3A_447] : memref<32x1000000xf32, #tpu.memory_space<hbm>> -> memref<32x128xf32, #tpu.memory_space<hbm>>
        %dma_start3A_455 = arith.constant 0 : i32
        %dma_start3A_456 = arith.constant 0 : i32
        %dma_start3A_457 = tpu.memref_slice %arg6[%rem3A_14, %dma_start3A_448, %dma_start3A_455, %dma_start3A_456] : memref<2x8x32x128xf32, #tpu.memory_space<vmem>> -> memref<1x1x32x128xf32, #tpu.memory_space<vmem>>
        %dma_start3A_458 = tpu.memref_squeeze %dma_start3A_457 : memref<1x1x32x128xf32, #tpu.memory_space<vmem>> -> memref<32x128xf32, #tpu.memory_space<vmem>>
        %dma_start3A_459 = arith.constant 0 : i32
        %dma_start3A_460 = tpu.memref_slice %arg2[%dma_start3A_459, %multiple_of3A_447] : memref<32x1000000xf32, #tpu.memory_space<hbm>> -> memref<32x128xf32, #tpu.memory_space<hbm>>
        tpu.enqueue_dma source(%dma_start3A_460 : memref<32x128xf32, #tpu.memory_space<hbm>>) target(%dma_start3A_458 : memref<32x128xf32, #tpu.memory_space<vmem>>) target_semaphore(%arg8 : memref<!tpu.dma_semaphore, #tpu.memory_space<semaphore_mem>>)
        %slice3A_461 = vector.extract_strided_slice %get3A_383 {offsets = [4], sizes = [1], strides = [1]} : vector<16xi32> to vector<1xi32>
        %squeeze3A_462 = vector.extract %slice3A_461[0] : i32 from vector<1xi32>
        %shift_right_arithmetic3A_463 = arith.constant 7 : i32
        %shift_right_arithmetic3A_464 = arith.shrsi %squeeze3A_462, %shift_right_arithmetic3A_463 : i32
        %mul3A_465 = arith.constant 128 : i32
        %mul3A_466 = arith.muli %shift_right_arithmetic3A_464, %mul3A_465 : i32
        %multiple_of3A_467 = tpu.assume_multiple %mul3A_466, 128 : i32
        %dma_start3A_468 = arith.constant 4 : i32
        %dma_start3A_469 = arith.constant 0 : i32
        %dma_start3A_470 = arith.constant 0 : i32
        %dma_start3A_471 = tpu.memref_slice %arg6[%rem3A_14, %dma_start3A_468, %dma_start3A_469, %dma_start3A_470] : memref<2x8x32x128xf32, #tpu.memory_space<vmem>> -> memref<1x1x32x128xf32, #tpu.memory_space<vmem>>
        %dma_start3A_472 = tpu.memref_squeeze %dma_start3A_471 : memref<1x1x32x128xf32, #tpu.memory_space<vmem>> -> memref<32x128xf32, #tpu.memory_space<vmem>>
        %dma_start3A_473 = arith.constant 0 : i32
        %dma_start3A_474 = tpu.memref_slice %arg2[%dma_start3A_473, %multiple_of3A_467] : memref<32x1000000xf32, #tpu.memory_space<hbm>> -> memref<32x128xf32, #tpu.memory_space<hbm>>
        %dma_start3A_475 = arith.constant 0 : i32
        %dma_start3A_476 = arith.constant 0 : i32
        %dma_start3A_477 = tpu.memref_slice %arg6[%rem3A_14, %dma_start3A_468, %dma_start3A_475, %dma_start3A_476] : memref<2x8x32x128xf32, #tpu.memory_space<vmem>> -> memref<1x1x32x128xf32, #tpu.memory_space<vmem>>
        %dma_start3A_478 = tpu.memref_squeeze %dma_start3A_477 : memref<1x1x32x128xf32, #tpu.memory_space<vmem>> -> memref<32x128xf32, #tpu.memory_space<vmem>>
        %dma_start3A_479 = arith.constant 0 : i32
        %dma_start3A_480 = tpu.memref_slice %arg2[%dma_start3A_479, %multiple_of3A_467] : memref<32x1000000xf32, #tpu.memory_space<hbm>> -> memref<32x128xf32, #tpu.memory_space<hbm>>
        tpu.enqueue_dma source(%dma_start3A_480 : memref<32x128xf32, #tpu.memory_space<hbm>>) target(%dma_start3A_478 : memref<32x128xf32, #tpu.memory_space<vmem>>) target_semaphore(%arg8 : memref<!tpu.dma_semaphore, #tpu.memory_space<semaphore_mem>>)
        %slice3A_481 = vector.extract_strided_slice %get3A_383 {offsets = [5], sizes = [1], strides = [1]} : vector<16xi32> to vector<1xi32>
        %squeeze3A_482 = vector.extract %slice3A_481[0] : i32 from vector<1xi32>
        %shift_right_arithmetic3A_483 = arith.constant 7 : i32
        %shift_right_arithmetic3A_484 = arith.shrsi %squeeze3A_482, %shift_right_arithmetic3A_483 : i32
        %mul3A_485 = arith.constant 128 : i32
        %mul3A_486 = arith.muli %shift_right_arithmetic3A_484, %mul3A_485 : i32
        %multiple_of3A_487 = tpu.assume_multiple %mul3A_486, 128 : i32
        %dma_start3A_488 = arith.constant 5 : i32
        %dma_start3A_489 = arith.constant 0 : i32
        %dma_start3A_490 = arith.constant 0 : i32
        %dma_start3A_491 = tpu.memref_slice %arg6[%rem3A_14, %dma_start3A_488, %dma_start3A_489, %dma_start3A_490] : memref<2x8x32x128xf32, #tpu.memory_space<vmem>> -> memref<1x1x32x128xf32, #tpu.memory_space<vmem>>
        %dma_start3A_492 = tpu.memref_squeeze %dma_start3A_491 : memref<1x1x32x128xf32, #tpu.memory_space<vmem>> -> memref<32x128xf32, #tpu.memory_space<vmem>>
        %dma_start3A_493 = arith.constant 0 : i32
        %dma_start3A_494 = tpu.memref_slice %arg2[%dma_start3A_493, %multiple_of3A_487] : memref<32x1000000xf32, #tpu.memory_space<hbm>> -> memref<32x128xf32, #tpu.memory_space<hbm>>
        %dma_start3A_495 = arith.constant 0 : i32
        %dma_start3A_496 = arith.constant 0 : i32
        %dma_start3A_497 = tpu.memref_slice %arg6[%rem3A_14, %dma_start3A_488, %dma_start3A_495, %dma_start3A_496] : memref<2x8x32x128xf32, #tpu.memory_space<vmem>> -> memref<1x1x32x128xf32, #tpu.memory_space<vmem>>
        %dma_start3A_498 = tpu.memref_squeeze %dma_start3A_497 : memref<1x1x32x128xf32, #tpu.memory_space<vmem>> -> memref<32x128xf32, #tpu.memory_space<vmem>>
        %dma_start3A_499 = arith.constant 0 : i32
        %dma_start3A_500 = tpu.memref_slice %arg2[%dma_start3A_499, %multiple_of3A_487] : memref<32x1000000xf32, #tpu.memory_space<hbm>> -> memref<32x128xf32, #tpu.memory_space<hbm>>
        tpu.enqueue_dma source(%dma_start3A_500 : memref<32x128xf32, #tpu.memory_space<hbm>>) target(%dma_start3A_498 : memref<32x128xf32, #tpu.memory_space<vmem>>) target_semaphore(%arg8 : memref<!tpu.dma_semaphore, #tpu.memory_space<semaphore_mem>>)
        %slice3A_501 = vector.extract_strided_slice %get3A_383 {offsets = [6], sizes = [1], strides = [1]} : vector<16xi32> to vector<1xi32>
        %squeeze3A_502 = vector.extract %slice3A_501[0] : i32 from vector<1xi32>
        %shift_right_arithmetic3A_503 = arith.constant 7 : i32
        %shift_right_arithmetic3A_504 = arith.shrsi %squeeze3A_502, %shift_right_arithmetic3A_503 : i32
        %mul3A_505 = arith.constant 128 : i32
        %mul3A_506 = arith.muli %shift_right_arithmetic3A_504, %mul3A_505 : i32
        %multiple_of3A_507 = tpu.assume_multiple %mul3A_506, 128 : i32
        %dma_start3A_508 = arith.constant 6 : i32
        %dma_start3A_509 = arith.constant 0 : i32
        %dma_start3A_510 = arith.constant 0 : i32
        %dma_start3A_511 = tpu.memref_slice %arg6[%rem3A_14, %dma_start3A_508, %dma_start3A_509, %dma_start3A_510] : memref<2x8x32x128xf32, #tpu.memory_space<vmem>> -> memref<1x1x32x128xf32, #tpu.memory_space<vmem>>
        %dma_start3A_512 = tpu.memref_squeeze %dma_start3A_511 : memref<1x1x32x128xf32, #tpu.memory_space<vmem>> -> memref<32x128xf32, #tpu.memory_space<vmem>>
        %dma_start3A_513 = arith.constant 0 : i32
        %dma_start3A_514 = tpu.memref_slice %arg2[%dma_start3A_513, %multiple_of3A_507] : memref<32x1000000xf32, #tpu.memory_space<hbm>> -> memref<32x128xf32, #tpu.memory_space<hbm>>
        %dma_start3A_515 = arith.constant 0 : i32
        %dma_start3A_516 = arith.constant 0 : i32
        %dma_start3A_517 = tpu.memref_slice %arg6[%rem3A_14, %dma_start3A_508, %dma_start3A_515, %dma_start3A_516] : memref<2x8x32x128xf32, #tpu.memory_space<vmem>> -> memref<1x1x32x128xf32, #tpu.memory_space<vmem>>
        %dma_start3A_518 = tpu.memref_squeeze %dma_start3A_517 : memref<1x1x32x128xf32, #tpu.memory_space<vmem>> -> memref<32x128xf32, #tpu.memory_space<vmem>>
        %dma_start3A_519 = arith.constant 0 : i32
        %dma_start3A_520 = tpu.memref_slice %arg2[%dma_start3A_519, %multiple_of3A_507] : memref<32x1000000xf32, #tpu.memory_space<hbm>> -> memref<32x128xf32, #tpu.memory_space<hbm>>
        tpu.enqueue_dma source(%dma_start3A_520 : memref<32x128xf32, #tpu.memory_space<hbm>>) target(%dma_start3A_518 : memref<32x128xf32, #tpu.memory_space<vmem>>) target_semaphore(%arg8 : memref<!tpu.dma_semaphore, #tpu.memory_space<semaphore_mem>>)
        %slice3A_521 = vector.extract_strided_slice %get3A_383 {offsets = [7], sizes = [1], strides = [1]} : vector<16xi32> to vector<1xi32>
        %squeeze3A_522 = vector.extract %slice3A_521[0] : i32 from vector<1xi32>
        %shift_right_arithmetic3A_523 = arith.constant 7 : i32
        %shift_right_arithmetic3A_524 = arith.shrsi %squeeze3A_522, %shift_right_arithmetic3A_523 : i32
        %mul3A_525 = arith.constant 128 : i32
        %mul3A_526 = arith.muli %shift_right_arithmetic3A_524, %mul3A_525 : i32
        %multiple_of3A_527 = tpu.assume_multiple %mul3A_526, 128 : i32
        %dma_start3A_528 = arith.constant 7 : i32
        %dma_start3A_529 = arith.constant 0 : i32
        %dma_start3A_530 = arith.constant 0 : i32
        %dma_start3A_531 = tpu.memref_slice %arg6[%rem3A_14, %dma_start3A_528, %dma_start3A_529, %dma_start3A_530] : memref<2x8x32x128xf32, #tpu.memory_space<vmem>> -> memref<1x1x32x128xf32, #tpu.memory_space<vmem>>
        %dma_start3A_532 = tpu.memref_squeeze %dma_start3A_531 : memref<1x1x32x128xf32, #tpu.memory_space<vmem>> -> memref<32x128xf32, #tpu.memory_space<vmem>>
        %dma_start3A_533 = arith.constant 0 : i32
        %dma_start3A_534 = tpu.memref_slice %arg2[%dma_start3A_533, %multiple_of3A_527] : memref<32x1000000xf32, #tpu.memory_space<hbm>> -> memref<32x128xf32, #tpu.memory_space<hbm>>
        %dma_start3A_535 = arith.constant 0 : i32
        %dma_start3A_536 = arith.constant 0 : i32
        %dma_start3A_537 = tpu.memref_slice %arg6[%rem3A_14, %dma_start3A_528, %dma_start3A_535, %dma_start3A_536] : memref<2x8x32x128xf32, #tpu.memory_space<vmem>> -> memref<1x1x32x128xf32, #tpu.memory_space<vmem>>
        %dma_start3A_538 = tpu.memref_squeeze %dma_start3A_537 : memref<1x1x32x128xf32, #tpu.memory_space<vmem>> -> memref<32x128xf32, #tpu.memory_space<vmem>>
        %dma_start3A_539 = arith.constant 0 : i32
        %dma_start3A_540 = tpu.memref_slice %arg2[%dma_start3A_539, %multiple_of3A_527] : memref<32x1000000xf32, #tpu.memory_space<hbm>> -> memref<32x128xf32, #tpu.memory_space<hbm>>
        tpu.enqueue_dma source(%dma_start3A_540 : memref<32x128xf32, #tpu.memory_space<hbm>>) target(%dma_start3A_538 : memref<32x128xf32, #tpu.memory_space<vmem>>) target_semaphore(%arg8 : memref<!tpu.dma_semaphore, #tpu.memory_space<semaphore_mem>>)
      } else {
      }
      %add3A_17 = arith.constant 1 : i32
      %add3A_18 = arith.addi %add3A_13, %add3A_17 : i32
      %lt3A = arith.constant 64 : i32
      %lt3A_19 = arith.cmpi slt, %add3A_18, %lt3A : i32
      %convert_element_type3A_20 = arith.extui %lt3A_19 : i1 to i32
      %cond3A_21 = arith.constant 0 : i32
      %cond3A_22 = arith.cmpi ne, %convert_element_type3A_20, %cond3A_21 : i32
      scf.if %cond3A_22 {
        %add3A_380 = arith.constant 1 : i32
        %add3A_381 = arith.addi %add3A_13, %add3A_380 : i32
        %sub3A = arith.constant 1 : i32
        %sub3A_382 = arith.subi %sub3A, %rem3A_14 : i32
        %mul3A_383 = arith.constant 8 : i32
        %mul3A_384 = arith.muli %add3A_381, %mul3A_383 : i32
        %get3A_385 = arith.index_cast %mul3A_384 : i32 to index
        %get3A_386 = tpu.vector_load %arg5[%get3A_385] {strides = array<i32>} : memref<528xi32, #tpu.memory_space<vmem>>, vector<16xi32>,
        %slice3A_387 = vector.extract_strided_slice %get3A_386 {offsets = [0], sizes = [1], strides = [1]} : vector<16xi32> to vector<1xi32>
        %squeeze3A_388 = vector.extract %slice3A_387[0] : i32 from vector<1xi32>
        %shift_right_arithmetic3A = arith.constant 7 : i32
        %shift_right_arithmetic3A_389 = arith.shrsi %squeeze3A_388, %shift_right_arithmetic3A : i32
        %mul3A_390 = arith.constant 128 : i32
        %mul3A_391 = arith.muli %shift_right_arithmetic3A_389, %mul3A_390 : i32
        %multiple_of3A = tpu.assume_multiple %mul3A_391, 128 : i32
        %dma_start3A = arith.constant 0 : i32
        %dma_start3A_392 = arith.constant 0 : i32
        %dma_start3A_393 = arith.constant 0 : i32
        %dma_start3A_394 = tpu.memref_slice %arg6[%sub3A_382, %dma_start3A, %dma_start3A_392, %dma_start3A_393] : memref<2x8x32x128xf32, #tpu.memory_space<vmem>> -> memref<1x1x32x128xf32, #tpu.memory_space<vmem>>
        %dma_start3A_395 = tpu.memref_squeeze %dma_start3A_394 : memref<1x1x32x128xf32, #tpu.memory_space<vmem>> -> memref<32x128xf32, #tpu.memory_space<vmem>>
        %dma_start3A_396 = arith.constant 0 : i32
        %dma_start3A_397 = tpu.memref_slice %arg2[%dma_start3A_396, %multiple_of3A] : memref<32x1000000xf32, #tpu.memory_space<hbm>> -> memref<32x128xf32, #tpu.memory_space<hbm>>
        %dma_start3A_398 = arith.constant 0 : i32
        %dma_start3A_399 = arith.constant 0 : i32
        %dma_start3A_400 = tpu.memref_slice %arg6[%sub3A_382, %dma_start3A, %dma_start3A_398, %dma_start3A_399] : memref<2x8x32x128xf32, #tpu.memory_space<vmem>> -> memref<1x1x32x128xf32, #tpu.memory_space<vmem>>
        %dma_start3A_401 = tpu.memref_squeeze %dma_start3A_400 : memref<1x1x32x128xf32, #tpu.memory_space<vmem>> -> memref<32x128xf32, #tpu.memory_space<vmem>>
        %dma_start3A_402 = arith.constant 0 : i32
        %dma_start3A_403 = tpu.memref_slice %arg2[%dma_start3A_402, %multiple_of3A] : memref<32x1000000xf32, #tpu.memory_space<hbm>> -> memref<32x128xf32, #tpu.memory_space<hbm>>
        tpu.enqueue_dma source(%dma_start3A_403 : memref<32x128xf32, #tpu.memory_space<hbm>>) target(%dma_start3A_401 : memref<32x128xf32, #tpu.memory_space<vmem>>) target_semaphore(%arg8 : memref<!tpu.dma_semaphore, #tpu.memory_space<semaphore_mem>>)
        %slice3A_404 = vector.extract_strided_slice %get3A_386 {offsets = [1], sizes = [1], strides = [1]} : vector<16xi32> to vector<1xi32>
        %squeeze3A_405 = vector.extract %slice3A_404[0] : i32 from vector<1xi32>
        %shift_right_arithmetic3A_406 = arith.constant 7 : i32
        %shift_right_arithmetic3A_407 = arith.shrsi %squeeze3A_405, %shift_right_arithmetic3A_406 : i32
        %mul3A_408 = arith.constant 128 : i32
        %mul3A_409 = arith.muli %shift_right_arithmetic3A_407, %mul3A_408 : i32
        %multiple_of3A_410 = tpu.assume_multiple %mul3A_409, 128 : i32
        %dma_start3A_411 = arith.constant 1 : i32
        %dma_start3A_412 = arith.constant 0 : i32
        %dma_start3A_413 = arith.constant 0 : i32
        %dma_start3A_414 = tpu.memref_slice %arg6[%sub3A_382, %dma_start3A_411, %dma_start3A_412, %dma_start3A_413] : memref<2x8x32x128xf32, #tpu.memory_space<vmem>> -> memref<1x1x32x128xf32, #tpu.memory_space<vmem>>
        %dma_start3A_415 = tpu.memref_squeeze %dma_start3A_414 : memref<1x1x32x128xf32, #tpu.memory_space<vmem>> -> memref<32x128xf32, #tpu.memory_space<vmem>>
        %dma_start3A_416 = arith.constant 0 : i32
        %dma_start3A_417 = tpu.memref_slice %arg2[%dma_start3A_416, %multiple_of3A_410] : memref<32x1000000xf32, #tpu.memory_space<hbm>> -> memref<32x128xf32, #tpu.memory_space<hbm>>
        %dma_start3A_418 = arith.constant 0 : i32
        %dma_start3A_419 = arith.constant 0 : i32
        %dma_start3A_420 = tpu.memref_slice %arg6[%sub3A_382, %dma_start3A_411, %dma_start3A_418, %dma_start3A_419] : memref<2x8x32x128xf32, #tpu.memory_space<vmem>> -> memref<1x1x32x128xf32, #tpu.memory_space<vmem>>
        %dma_start3A_421 = tpu.memref_squeeze %dma_start3A_420 : memref<1x1x32x128xf32, #tpu.memory_space<vmem>> -> memref<32x128xf32, #tpu.memory_space<vmem>>
        %dma_start3A_422 = arith.constant 0 : i32
        %dma_start3A_423 = tpu.memref_slice %arg2[%dma_start3A_422, %multiple_of3A_410] : memref<32x1000000xf32, #tpu.memory_space<hbm>> -> memref<32x128xf32, #tpu.memory_space<hbm>>
        tpu.enqueue_dma source(%dma_start3A_423 : memref<32x128xf32, #tpu.memory_space<hbm>>) target(%dma_start3A_421 : memref<32x128xf32, #tpu.memory_space<vmem>>) target_semaphore(%arg8 : memref<!tpu.dma_semaphore, #tpu.memory_space<semaphore_mem>>)
        %slice3A_424 = vector.extract_strided_slice %get3A_386 {offsets = [2], sizes = [1], strides = [1]} : vector<16xi32> to vector<1xi32>
        %squeeze3A_425 = vector.extract %slice3A_424[0] : i32 from vector<1xi32>
        %shift_right_arithmetic3A_426 = arith.constant 7 : i32
        %shift_right_arithmetic3A_427 = arith.shrsi %squeeze3A_425, %shift_right_arithmetic3A_426 : i32
        %mul3A_428 = arith.constant 128 : i32
        %mul3A_429 = arith.muli %shift_right_arithmetic3A_427, %mul3A_428 : i32
        %multiple_of3A_430 = tpu.assume_multiple %mul3A_429, 128 : i32
        %dma_start3A_431 = arith.constant 2 : i32
        %dma_start3A_432 = arith.constant 0 : i32
        %dma_start3A_433 = arith.constant 0 : i32
        %dma_start3A_434 = tpu.memref_slice %arg6[%sub3A_382, %dma_start3A_431, %dma_start3A_432, %dma_start3A_433] : memref<2x8x32x128xf32, #tpu.memory_space<vmem>> -> memref<1x1x32x128xf32, #tpu.memory_space<vmem>>
        %dma_start3A_435 = tpu.memref_squeeze %dma_start3A_434 : memref<1x1x32x128xf32, #tpu.memory_space<vmem>> -> memref<32x128xf32, #tpu.memory_space<vmem>>
        %dma_start3A_436 = arith.constant 0 : i32
        %dma_start3A_437 = tpu.memref_slice %arg2[%dma_start3A_436, %multiple_of3A_430] : memref<32x1000000xf32, #tpu.memory_space<hbm>> -> memref<32x128xf32, #tpu.memory_space<hbm>>
        %dma_start3A_438 = arith.constant 0 : i32
        %dma_start3A_439 = arith.constant 0 : i32
        %dma_start3A_440 = tpu.memref_slice %arg6[%sub3A_382, %dma_start3A_431, %dma_start3A_438, %dma_start3A_439] : memref<2x8x32x128xf32, #tpu.memory_space<vmem>> -> memref<1x1x32x128xf32, #tpu.memory_space<vmem>>
        %dma_start3A_441 = tpu.memref_squeeze %dma_start3A_440 : memref<1x1x32x128xf32, #tpu.memory_space<vmem>> -> memref<32x128xf32, #tpu.memory_space<vmem>>
        %dma_start3A_442 = arith.constant 0 : i32
        %dma_start3A_443 = tpu.memref_slice %arg2[%dma_start3A_442, %multiple_of3A_430] : memref<32x1000000xf32, #tpu.memory_space<hbm>> -> memref<32x128xf32, #tpu.memory_space<hbm>>
        tpu.enqueue_dma source(%dma_start3A_443 : memref<32x128xf32, #tpu.memory_space<hbm>>) target(%dma_start3A_441 : memref<32x128xf32, #tpu.memory_space<vmem>>) target_semaphore(%arg8 : memref<!tpu.dma_semaphore, #tpu.memory_space<semaphore_mem>>)
        %slice3A_444 = vector.extract_strided_slice %get3A_386 {offsets = [3], sizes = [1], strides = [1]} : vector<16xi32> to vector<1xi32>
        %squeeze3A_445 = vector.extract %slice3A_444[0] : i32 from vector<1xi32>
        %shift_right_arithmetic3A_446 = arith.constant 7 : i32
        %shift_right_arithmetic3A_447 = arith.shrsi %squeeze3A_445, %shift_right_arithmetic3A_446 : i32
        %mul3A_448 = arith.constant 128 : i32
        %mul3A_449 = arith.muli %shift_right_arithmetic3A_447, %mul3A_448 : i32
        %multiple_of3A_450 = tpu.assume_multiple %mul3A_449, 128 : i32
        %dma_start3A_451 = arith.constant 3 : i32
        %dma_start3A_452 = arith.constant 0 : i32
        %dma_start3A_453 = arith.constant 0 : i32
        %dma_start3A_454 = tpu.memref_slice %arg6[%sub3A_382, %dma_start3A_451, %dma_start3A_452, %dma_start3A_453] : memref<2x8x32x128xf32, #tpu.memory_space<vmem>> -> memref<1x1x32x128xf32, #tpu.memory_space<vmem>>
        %dma_start3A_455 = tpu.memref_squeeze %dma_start3A_454 : memref<1x1x32x128xf32, #tpu.memory_space<vmem>> -> memref<32x128xf32, #tpu.memory_space<vmem>>
        %dma_start3A_456 = arith.constant 0 : i32
        %dma_start3A_457 = tpu.memref_slice %arg2[%dma_start3A_456, %multiple_of3A_450] : memref<32x1000000xf32, #tpu.memory_space<hbm>> -> memref<32x128xf32, #tpu.memory_space<hbm>>
        %dma_start3A_458 = arith.constant 0 : i32
        %dma_start3A_459 = arith.constant 0 : i32
        %dma_start3A_460 = tpu.memref_slice %arg6[%sub3A_382, %dma_start3A_451, %dma_start3A_458, %dma_start3A_459] : memref<2x8x32x128xf32, #tpu.memory_space<vmem>> -> memref<1x1x32x128xf32, #tpu.memory_space<vmem>>
        %dma_start3A_461 = tpu.memref_squeeze %dma_start3A_460 : memref<1x1x32x128xf32, #tpu.memory_space<vmem>> -> memref<32x128xf32, #tpu.memory_space<vmem>>
        %dma_start3A_462 = arith.constant 0 : i32
        %dma_start3A_463 = tpu.memref_slice %arg2[%dma_start3A_462, %multiple_of3A_450] : memref<32x1000000xf32, #tpu.memory_space<hbm>> -> memref<32x128xf32, #tpu.memory_space<hbm>>
        tpu.enqueue_dma source(%dma_start3A_463 : memref<32x128xf32, #tpu.memory_space<hbm>>) target(%dma_start3A_461 : memref<32x128xf32, #tpu.memory_space<vmem>>) target_semaphore(%arg8 : memref<!tpu.dma_semaphore, #tpu.memory_space<semaphore_mem>>)
        %slice3A_464 = vector.extract_strided_slice %get3A_386 {offsets = [4], sizes = [1], strides = [1]} : vector<16xi32> to vector<1xi32>
        %squeeze3A_465 = vector.extract %slice3A_464[0] : i32 from vector<1xi32>
        %shift_right_arithmetic3A_466 = arith.constant 7 : i32
        %shift_right_arithmetic3A_467 = arith.shrsi %squeeze3A_465, %shift_right_arithmetic3A_466 : i32
        %mul3A_468 = arith.constant 128 : i32
        %mul3A_469 = arith.muli %shift_right_arithmetic3A_467, %mul3A_468 : i32
        %multiple_of3A_470 = tpu.assume_multiple %mul3A_469, 128 : i32
        %dma_start3A_471 = arith.constant 4 : i32
        %dma_start3A_472 = arith.constant 0 : i32
        %dma_start3A_473 = arith.constant 0 : i32
        %dma_start3A_474 = tpu.memref_slice %arg6[%sub3A_382, %dma_start3A_471, %dma_start3A_472, %dma_start3A_473] : memref<2x8x32x128xf32, #tpu.memory_space<vmem>> -> memref<1x1x32x128xf32, #tpu.memory_space<vmem>>
        %dma_start3A_475 = tpu.memref_squeeze %dma_start3A_474 : memref<1x1x32x128xf32, #tpu.memory_space<vmem>> -> memref<32x128xf32, #tpu.memory_space<vmem>>
        %dma_start3A_476 = arith.constant 0 : i32
        %dma_start3A_477 = tpu.memref_slice %arg2[%dma_start3A_476, %multiple_of3A_470] : memref<32x1000000xf32, #tpu.memory_space<hbm>> -> memref<32x128xf32, #tpu.memory_space<hbm>>
        %dma_start3A_478 = arith.constant 0 : i32
        %dma_start3A_479 = arith.constant 0 : i32
        %dma_start3A_480 = tpu.memref_slice %arg6[%sub3A_382, %dma_start3A_471, %dma_start3A_478, %dma_start3A_479] : memref<2x8x32x128xf32, #tpu.memory_space<vmem>> -> memref<1x1x32x128xf32, #tpu.memory_space<vmem>>
        %dma_start3A_481 = tpu.memref_squeeze %dma_start3A_480 : memref<1x1x32x128xf32, #tpu.memory_space<vmem>> -> memref<32x128xf32, #tpu.memory_space<vmem>>
        %dma_start3A_482 = arith.constant 0 : i32
        %dma_start3A_483 = tpu.memref_slice %arg2[%dma_start3A_482, %multiple_of3A_470] : memref<32x1000000xf32, #tpu.memory_space<hbm>> -> memref<32x128xf32, #tpu.memory_space<hbm>>
        tpu.enqueue_dma source(%dma_start3A_483 : memref<32x128xf32, #tpu.memory_space<hbm>>) target(%dma_start3A_481 : memref<32x128xf32, #tpu.memory_space<vmem>>) target_semaphore(%arg8 : memref<!tpu.dma_semaphore, #tpu.memory_space<semaphore_mem>>)
        %slice3A_484 = vector.extract_strided_slice %get3A_386 {offsets = [5], sizes = [1], strides = [1]} : vector<16xi32> to vector<1xi32>
        %squeeze3A_485 = vector.extract %slice3A_484[0] : i32 from vector<1xi32>
        %shift_right_arithmetic3A_486 = arith.constant 7 : i32
        %shift_right_arithmetic3A_487 = arith.shrsi %squeeze3A_485, %shift_right_arithmetic3A_486 : i32
        %mul3A_488 = arith.constant 128 : i32
        %mul3A_489 = arith.muli %shift_right_arithmetic3A_487, %mul3A_488 : i32
        %multiple_of3A_490 = tpu.assume_multiple %mul3A_489, 128 : i32
        %dma_start3A_491 = arith.constant 5 : i32
        %dma_start3A_492 = arith.constant 0 : i32
        %dma_start3A_493 = arith.constant 0 : i32
        %dma_start3A_494 = tpu.memref_slice %arg6[%sub3A_382, %dma_start3A_491, %dma_start3A_492, %dma_start3A_493] : memref<2x8x32x128xf32, #tpu.memory_space<vmem>> -> memref<1x1x32x128xf32, #tpu.memory_space<vmem>>
        %dma_start3A_495 = tpu.memref_squeeze %dma_start3A_494 : memref<1x1x32x128xf32, #tpu.memory_space<vmem>> -> memref<32x128xf32, #tpu.memory_space<vmem>>
        %dma_start3A_496 = arith.constant 0 : i32
        %dma_start3A_497 = tpu.memref_slice %arg2[%dma_start3A_496, %multiple_of3A_490] : memref<32x1000000xf32, #tpu.memory_space<hbm>> -> memref<32x128xf32, #tpu.memory_space<hbm>>
        %dma_start3A_498 = arith.constant 0 : i32
        %dma_start3A_499 = arith.constant 0 : i32
        %dma_start3A_500 = tpu.memref_slice %arg6[%sub3A_382, %dma_start3A_491, %dma_start3A_498, %dma_start3A_499] : memref<2x8x32x128xf32, #tpu.memory_space<vmem>> -> memref<1x1x32x128xf32, #tpu.memory_space<vmem>>
        %dma_start3A_501 = tpu.memref_squeeze %dma_start3A_500 : memref<1x1x32x128xf32, #tpu.memory_space<vmem>> -> memref<32x128xf32, #tpu.memory_space<vmem>>
        %dma_start3A_502 = arith.constant 0 : i32
        %dma_start3A_503 = tpu.memref_slice %arg2[%dma_start3A_502, %multiple_of3A_490] : memref<32x1000000xf32, #tpu.memory_space<hbm>> -> memref<32x128xf32, #tpu.memory_space<hbm>>
        tpu.enqueue_dma source(%dma_start3A_503 : memref<32x128xf32, #tpu.memory_space<hbm>>) target(%dma_start3A_501 : memref<32x128xf32, #tpu.memory_space<vmem>>) target_semaphore(%arg8 : memref<!tpu.dma_semaphore, #tpu.memory_space<semaphore_mem>>)
        %slice3A_504 = vector.extract_strided_slice %get3A_386 {offsets = [6], sizes = [1], strides = [1]} : vector<16xi32> to vector<1xi32>
        %squeeze3A_505 = vector.extract %slice3A_504[0] : i32 from vector<1xi32>
        %shift_right_arithmetic3A_506 = arith.constant 7 : i32
        %shift_right_arithmetic3A_507 = arith.shrsi %squeeze3A_505, %shift_right_arithmetic3A_506 : i32
        %mul3A_508 = arith.constant 128 : i32
        %mul3A_509 = arith.muli %shift_right_arithmetic3A_507, %mul3A_508 : i32
        %multiple_of3A_510 = tpu.assume_multiple %mul3A_509, 128 : i32
        %dma_start3A_511 = arith.constant 6 : i32
        %dma_start3A_512 = arith.constant 0 : i32
        %dma_start3A_513 = arith.constant 0 : i32
        %dma_start3A_514 = tpu.memref_slice %arg6[%sub3A_382, %dma_start3A_511, %dma_start3A_512, %dma_start3A_513] : memref<2x8x32x128xf32, #tpu.memory_space<vmem>> -> memref<1x1x32x128xf32, #tpu.memory_space<vmem>>
        %dma_start3A_515 = tpu.memref_squeeze %dma_start3A_514 : memref<1x1x32x128xf32, #tpu.memory_space<vmem>> -> memref<32x128xf32, #tpu.memory_space<vmem>>
        %dma_start3A_516 = arith.constant 0 : i32
        %dma_start3A_517 = tpu.memref_slice %arg2[%dma_start3A_516, %multiple_of3A_510] : memref<32x1000000xf32, #tpu.memory_space<hbm>> -> memref<32x128xf32, #tpu.memory_space<hbm>>
        %dma_start3A_518 = arith.constant 0 : i32
        %dma_start3A_519 = arith.constant 0 : i32
        %dma_start3A_520 = tpu.memref_slice %arg6[%sub3A_382, %dma_start3A_511, %dma_start3A_518, %dma_start3A_519] : memref<2x8x32x128xf32, #tpu.memory_space<vmem>> -> memref<1x1x32x128xf32, #tpu.memory_space<vmem>>
        %dma_start3A_521 = tpu.memref_squeeze %dma_start3A_520 : memref<1x1x32x128xf32, #tpu.memory_space<vmem>> -> memref<32x128xf32, #tpu.memory_space<vmem>>
        %dma_start3A_522 = arith.constant 0 : i32
        %dma_start3A_523 = tpu.memref_slice %arg2[%dma_start3A_522, %multiple_of3A_510] : memref<32x1000000xf32, #tpu.memory_space<hbm>> -> memref<32x128xf32, #tpu.memory_space<hbm>>
        tpu.enqueue_dma source(%dma_start3A_523 : memref<32x128xf32, #tpu.memory_space<hbm>>) target(%dma_start3A_521 : memref<32x128xf32, #tpu.memory_space<vmem>>) target_semaphore(%arg8 : memref<!tpu.dma_semaphore, #tpu.memory_space<semaphore_mem>>)
        %slice3A_524 = vector.extract_strided_slice %get3A_386 {offsets = [7], sizes = [1], strides = [1]} : vector<16xi32> to vector<1xi32>
        %squeeze3A_525 = vector.extract %slice3A_524[0] : i32 from vector<1xi32>
        %shift_right_arithmetic3A_526 = arith.constant 7 : i32
        %shift_right_arithmetic3A_527 = arith.shrsi %squeeze3A_525, %shift_right_arithmetic3A_526 : i32
        %mul3A_528 = arith.constant 128 : i32
        %mul3A_529 = arith.muli %shift_right_arithmetic3A_527, %mul3A_528 : i32
        %multiple_of3A_530 = tpu.assume_multiple %mul3A_529, 128 : i32
        %dma_start3A_531 = arith.constant 7 : i32
        %dma_start3A_532 = arith.constant 0 : i32
        %dma_start3A_533 = arith.constant 0 : i32
        %dma_start3A_534 = tpu.memref_slice %arg6[%sub3A_382, %dma_start3A_531, %dma_start3A_532, %dma_start3A_533] : memref<2x8x32x128xf32, #tpu.memory_space<vmem>> -> memref<1x1x32x128xf32, #tpu.memory_space<vmem>>
        %dma_start3A_535 = tpu.memref_squeeze %dma_start3A_534 : memref<1x1x32x128xf32, #tpu.memory_space<vmem>> -> memref<32x128xf32, #tpu.memory_space<vmem>>
        %dma_start3A_536 = arith.constant 0 : i32
        %dma_start3A_537 = tpu.memref_slice %arg2[%dma_start3A_536, %multiple_of3A_530] : memref<32x1000000xf32, #tpu.memory_space<hbm>> -> memref<32x128xf32, #tpu.memory_space<hbm>>
        %dma_start3A_538 = arith.constant 0 : i32
        %dma_start3A_539 = arith.constant 0 : i32
        %dma_start3A_540 = tpu.memref_slice %arg6[%sub3A_382, %dma_start3A_531, %dma_start3A_538, %dma_start3A_539] : memref<2x8x32x128xf32, #tpu.memory_space<vmem>> -> memref<1x1x32x128xf32, #tpu.memory_space<vmem>>
        %dma_start3A_541 = tpu.memref_squeeze %dma_start3A_540 : memref<1x1x32x128xf32, #tpu.memory_space<vmem>> -> memref<32x128xf32, #tpu.memory_space<vmem>>
        %dma_start3A_542 = arith.constant 0 : i32
        %dma_start3A_543 = tpu.memref_slice %arg2[%dma_start3A_542, %multiple_of3A_530] : memref<32x1000000xf32, #tpu.memory_space<hbm>> -> memref<32x128xf32, #tpu.memory_space<hbm>>
        tpu.enqueue_dma source(%dma_start3A_543 : memref<32x128xf32, #tpu.memory_space<hbm>>) target(%dma_start3A_541 : memref<32x128xf32, #tpu.memory_space<vmem>>) target_semaphore(%arg8 : memref<!tpu.dma_semaphore, #tpu.memory_space<semaphore_mem>>)
      } else {
      }
      %mul3A_23 = arith.constant 8 : i32
      %mul3A_24 = arith.muli %add3A_13, %mul3A_23 : i32
      %get3A = arith.index_cast %mul3A_24 : i32 to index
      %get3A_25 = tpu.vector_load %arg5[%get3A] {strides = array<i32>} : memref<528xi32, #tpu.memory_space<vmem>>, vector<16xi32>,
      %broadcast_in_dim3A = vector.broadcast %rem3A_14 : i32 to vector<16xi32>
      %dma_wait3A = arith.constant 0 : i32
      %dma_wait3A_26 = arith.constant 0 : i32
      %dma_wait3A_27 = arith.constant 0 : i32
      %dma_wait3A_28 = tpu.memref_slice %arg6[%rem3A_14, %dma_wait3A, %dma_wait3A_26, %dma_wait3A_27] : memref<2x8x32x128xf32, #tpu.memory_space<vmem>> -> memref<1x1x32x128xf32, #tpu.memory_space<vmem>>
      %dma_wait3A_29 = tpu.memref_squeeze %dma_wait3A_28 : memref<1x1x32x128xf32, #tpu.memory_space<vmem>> -> memref<32x128xf32, #tpu.memory_space<vmem>>
      %dma_wait3A_30 = arith.constant 0 : i32
      %dma_wait3A_31 = arith.constant 0 : i32
      %dma_wait3A_32 = tpu.memref_slice %arg2[%dma_wait3A_30, %dma_wait3A_31] : memref<32x1000000xf32, #tpu.memory_space<hbm>> -> memref<32x128xf32, #tpu.memory_space<hbm>>
      %dma_wait3A_33 = arith.constant 0 : i32
      %dma_wait3A_34 = arith.constant 0 : i32
      %dma_wait3A_35 = tpu.memref_slice %arg6[%rem3A_14, %dma_wait3A, %dma_wait3A_33, %dma_wait3A_34] : memref<2x8x32x128xf32, #tpu.memory_space<vmem>> -> memref<1x1x32x128xf32, #tpu.memory_space<vmem>>
      %dma_wait3A_36 = tpu.memref_squeeze %dma_wait3A_35 : memref<1x1x32x128xf32, #tpu.memory_space<vmem>> -> memref<32x128xf32, #tpu.memory_space<vmem>>
      %dma_wait3A_37 = arith.constant 0 : i32
      %dma_wait3A_38 = arith.constant 0 : i32
      %dma_wait3A_39 = tpu.memref_slice %arg2[%dma_wait3A_37, %dma_wait3A_38] : memref<32x1000000xf32, #tpu.memory_space<hbm>> -> memref<32x128xf32, #tpu.memory_space<hbm>>
      tpu.wait_dma2 semaphore(%arg8 : memref<!tpu.dma_semaphore, #tpu.memory_space<semaphore_mem>>) src(%dma_wait3A_39 : memref<32x128xf32, #tpu.memory_space<hbm>>) dst(%dma_wait3A_36 : memref<32x128xf32, #tpu.memory_space<vmem>>)
      %slice3A = vector.extract_strided_slice %get3A_25 {offsets = [0], sizes = [1], strides = [1]} : vector<16xi32> to vector<1xi32>
      %squeeze3A = vector.extract %slice3A[0] : i32 from vector<1xi32>
      %and3A = arith.constant 127 : i32
      %and3A_40 = arith.andi %squeeze3A, %and3A : i32
      %broadcast_in_dim3A_41 = vector.broadcast %and3A_40 : i32 to vector<16xi32>
      %broadcast_in_dim3A_42 = arith.constant 0 : i32
      %broadcast_in_dim3A_43 = vector.broadcast %broadcast_in_dim3A_42 : i32 to vector<16xi32>
      %gather3A = tpu.vector_load_idx %arg6[%broadcast_in_dim3A, %broadcast_in_dim3A_43, %iota3A, %broadcast_in_dim3A_41] : memref<2x8x32x128xf32, #tpu.memory_space<vmem>>[vector<16xi32>, vector<16xi32>, vector<16xi32>, vector<16xi32>], vector<16xf32>,
      %add3A_44 = arith.constant 16 : i32
      %add3A_45 = vector.broadcast %add3A_44 : i32 to vector<16xi32>
      %add3A_46 = arith.addi %iota3A, %add3A_45 : vector<16xi32>
      %gather3A_47 = tpu.vector_load_idx %arg6[%broadcast_in_dim3A, %broadcast_in_dim3A_43, %add3A_46, %broadcast_in_dim3A_41] : memref<2x8x32x128xf32, #tpu.memory_space<vmem>>[vector<16xi32>, vector<16xi32>, vector<16xi32>, vector<16xi32>], vector<16xf32>,
      %mul3A_48 = arith.constant 8 : i32
      %mul3A_49 = arith.muli %add3A_13, %mul3A_48 : i32
      %add3A_50 = arith.constant 0 : i32
      %add3A_51 = arith.addi %mul3A_49, %add3A_50 : i32
      %mul3A_52 = arith.constant 32 : i32
      %mul3A_53 = arith.muli %add3A_51, %mul3A_52 : i32
      %swap3A = arith.index_cast %mul3A_53 : i32 to index
      %swap3A_54 = tpu.vector_load %arg7[%swap3A] {strides = array<i32>} : memref<16384xf32, #tpu.memory_space<vmem>>, vector<16xf32>,
      tpu.vector_store %arg7[%swap3A], %gather3A {strides = array<i32>} : memref<16384xf32, #tpu.memory_space<vmem>>, vector<16xf32>,
      %mul3A_55 = arith.constant 8 : i32
      %mul3A_56 = arith.muli %add3A_13, %mul3A_55 : i32
      %add3A_57 = arith.constant 0 : i32
      %add3A_58 = arith.addi %mul3A_56, %add3A_57 : i32
      %mul3A_59 = arith.constant 32 : i32
      %mul3A_60 = arith.muli %add3A_58, %mul3A_59 : i32
      %add3A_61 = arith.constant 16 : i32
      %add3A_62 = arith.addi %mul3A_60, %add3A_61 : i32
      %swap3A_63 = arith.index_cast %add3A_62 : i32 to index
      %swap3A_64 = tpu.vector_load %arg7[%swap3A_63] {strides = array<i32>} : memref<16384xf32, #tpu.memory_space<vmem>>, vector<16xf32>,
      tpu.vector_store %arg7[%swap3A_63], %gather3A_47 {strides = array<i32>} : memref<16384xf32, #tpu.memory_space<vmem>>, vector<16xf32>,
      %dma_wait3A_65 = arith.constant 1 : i32
      %dma_wait3A_66 = arith.constant 0 : i32
      %dma_wait3A_67 = arith.constant 0 : i32
      %dma_wait3A_68 = tpu.memref_slice %arg6[%rem3A_14, %dma_wait3A_65, %dma_wait3A_66, %dma_wait3A_67] : memref<2x8x32x128xf32, #tpu.memory_space<vmem>> -> memref<1x1x32x128xf32, #tpu.memory_space<vmem>>
      %dma_wait3A_69 = tpu.memref_squeeze %dma_wait3A_68 : memref<1x1x32x128xf32, #tpu.memory_space<vmem>> -> memref<32x128xf32, #tpu.memory_space<vmem>>
      %dma_wait3A_70 = arith.constant 0 : i32
      %dma_wait3A_71 = arith.constant 0 : i32
      %dma_wait3A_72 = tpu.memref_slice %arg2[%dma_wait3A_70, %dma_wait3A_71] : memref<32x1000000xf32, #tpu.memory_space<hbm>> -> memref<32x128xf32, #tpu.memory_space<hbm>>
      %dma_wait3A_73 = arith.constant 0 : i32
      %dma_wait3A_74 = arith.constant 0 : i32
      %dma_wait3A_75 = tpu.memref_slice %arg6[%rem3A_14, %dma_wait3A_65, %dma_wait3A_73, %dma_wait3A_74] : memref<2x8x32x128xf32, #tpu.memory_space<vmem>> -> memref<1x1x32x128xf32, #tpu.memory_space<vmem>>
      %dma_wait3A_76 = tpu.memref_squeeze %dma_wait3A_75 : memref<1x1x32x128xf32, #tpu.memory_space<vmem>> -> memref<32x128xf32, #tpu.memory_space<vmem>>
      %dma_wait3A_77 = arith.constant 0 : i32
      %dma_wait3A_78 = arith.constant 0 : i32
      %dma_wait3A_79 = tpu.memref_slice %arg2[%dma_wait3A_77, %dma_wait3A_78] : memref<32x1000000xf32, #tpu.memory_space<hbm>> -> memref<32x128xf32, #tpu.memory_space<hbm>>
      tpu.wait_dma2 semaphore(%arg8 : memref<!tpu.dma_semaphore, #tpu.memory_space<semaphore_mem>>) src(%dma_wait3A_79 : memref<32x128xf32, #tpu.memory_space<hbm>>) dst(%dma_wait3A_76 : memref<32x128xf32, #tpu.memory_space<vmem>>)
      %slice3A_80 = vector.extract_strided_slice %get3A_25 {offsets = [1], sizes = [1], strides = [1]} : vector<16xi32> to vector<1xi32>
      %squeeze3A_81 = vector.extract %slice3A_80[0] : i32 from vector<1xi32>
      %and3A_82 = arith.constant 127 : i32
      %and3A_83 = arith.andi %squeeze3A_81, %and3A_82 : i32
      %broadcast_in_dim3A_84 = vector.broadcast %and3A_83 : i32 to vector<16xi32>
      %broadcast_in_dim3A_85 = arith.constant 1 : i32
      %broadcast_in_dim3A_86 = vector.broadcast %broadcast_in_dim3A_85 : i32 to vector<16xi32>
      %gather3A_87 = tpu.vector_load_idx %arg6[%broadcast_in_dim3A, %broadcast_in_dim3A_86, %iota3A, %broadcast_in_dim3A_84] : memref<2x8x32x128xf32, #tpu.memory_space<vmem>>[vector<16xi32>, vector<16xi32>, vector<16xi32>, vector<16xi32>], vector<16xf32>,
      %add3A_88 = arith.constant 16 : i32
      %add3A_89 = vector.broadcast %add3A_88 : i32 to vector<16xi32>
      %add3A_90 = arith.addi %iota3A, %add3A_89 : vector<16xi32>
      %gather3A_91 = tpu.vector_load_idx %arg6[%broadcast_in_dim3A, %broadcast_in_dim3A_86, %add3A_90, %broadcast_in_dim3A_84] : memref<2x8x32x128xf32, #tpu.memory_space<vmem>>[vector<16xi32>, vector<16xi32>, vector<16xi32>, vector<16xi32>], vector<16xf32>,
      %mul3A_92 = arith.constant 8 : i32
      %mul3A_93 = arith.muli %add3A_13, %mul3A_92 : i32
      %add3A_94 = arith.constant 1 : i32
      %add3A_95 = arith.addi %mul3A_93, %add3A_94 : i32
      %mul3A_96 = arith.constant 32 : i32
      %mul3A_97 = arith.muli %add3A_95, %mul3A_96 : i32
      %swap3A_98 = arith.index_cast %mul3A_97 : i32 to index
      %swap3A_99 = tpu.vector_load %arg7[%swap3A_98] {strides = array<i32>} : memref<16384xf32, #tpu.memory_space<vmem>>, vector<16xf32>,
      tpu.vector_store %arg7[%swap3A_98], %gather3A_87 {strides = array<i32>} : memref<16384xf32, #tpu.memory_space<vmem>>, vector<16xf32>,
      %mul3A_100 = arith.constant 8 : i32
      %mul3A_101 = arith.muli %add3A_13, %mul3A_100 : i32
      %add3A_102 = arith.constant 1 : i32
      %add3A_103 = arith.addi %mul3A_101, %add3A_102 : i32
      %mul3A_104 = arith.constant 32 : i32
      %mul3A_105 = arith.muli %add3A_103, %mul3A_104 : i32
      %add3A_106 = arith.constant 16 : i32
      %add3A_107 = arith.addi %mul3A_105, %add3A_106 : i32
      %swap3A_108 = arith.index_cast %add3A_107 : i32 to index
      %swap3A_109 = tpu.vector_load %arg7[%swap3A_108] {strides = array<i32>} : memref<16384xf32, #tpu.memory_space<vmem>>, vector<16xf32>,
      tpu.vector_store %arg7[%swap3A_108], %gather3A_91 {strides = array<i32>} : memref<16384xf32, #tpu.memory_space<vmem>>, vector<16xf32>,
      %dma_wait3A_110 = arith.constant 2 : i32
      %dma_wait3A_111 = arith.constant 0 : i32
      %dma_wait3A_112 = arith.constant 0 : i32
      %dma_wait3A_113 = tpu.memref_slice %arg6[%rem3A_14, %dma_wait3A_110, %dma_wait3A_111, %dma_wait3A_112] : memref<2x8x32x128xf32, #tpu.memory_space<vmem>> -> memref<1x1x32x128xf32, #tpu.memory_space<vmem>>
      %dma_wait3A_114 = tpu.memref_squeeze %dma_wait3A_113 : memref<1x1x32x128xf32, #tpu.memory_space<vmem>> -> memref<32x128xf32, #tpu.memory_space<vmem>>
      %dma_wait3A_115 = arith.constant 0 : i32
      %dma_wait3A_116 = arith.constant 0 : i32
      %dma_wait3A_117 = tpu.memref_slice %arg2[%dma_wait3A_115, %dma_wait3A_116] : memref<32x1000000xf32, #tpu.memory_space<hbm>> -> memref<32x128xf32, #tpu.memory_space<hbm>>
      %dma_wait3A_118 = arith.constant 0 : i32
      %dma_wait3A_119 = arith.constant 0 : i32
      %dma_wait3A_120 = tpu.memref_slice %arg6[%rem3A_14, %dma_wait3A_110, %dma_wait3A_118, %dma_wait3A_119] : memref<2x8x32x128xf32, #tpu.memory_space<vmem>> -> memref<1x1x32x128xf32, #tpu.memory_space<vmem>>
      %dma_wait3A_121 = tpu.memref_squeeze %dma_wait3A_120 : memref<1x1x32x128xf32, #tpu.memory_space<vmem>> -> memref<32x128xf32, #tpu.memory_space<vmem>>
      %dma_wait3A_122 = arith.constant 0 : i32
      %dma_wait3A_123 = arith.constant 0 : i32
      %dma_wait3A_124 = tpu.memref_slice %arg2[%dma_wait3A_122, %dma_wait3A_123] : memref<32x1000000xf32, #tpu.memory_space<hbm>> -> memref<32x128xf32, #tpu.memory_space<hbm>>
      tpu.wait_dma2 semaphore(%arg8 : memref<!tpu.dma_semaphore, #tpu.memory_space<semaphore_mem>>) src(%dma_wait3A_124 : memref<32x128xf32, #tpu.memory_space<hbm>>) dst(%dma_wait3A_121 : memref<32x128xf32, #tpu.memory_space<vmem>>)
      %slice3A_125 = vector.extract_strided_slice %get3A_25 {offsets = [2], sizes = [1], strides = [1]} : vector<16xi32> to vector<1xi32>
      %squeeze3A_126 = vector.extract %slice3A_125[0] : i32 from vector<1xi32>
      %and3A_127 = arith.constant 127 : i32
      %and3A_128 = arith.andi %squeeze3A_126, %and3A_127 : i32
      %broadcast_in_dim3A_129 = vector.broadcast %and3A_128 : i32 to vector<16xi32>
      %broadcast_in_dim3A_130 = arith.constant 2 : i32
      %broadcast_in_dim3A_131 = vector.broadcast %broadcast_in_dim3A_130 : i32 to vector<16xi32>
      %gather3A_132 = tpu.vector_load_idx %arg6[%broadcast_in_dim3A, %broadcast_in_dim3A_131, %iota3A, %broadcast_in_dim3A_129] : memref<2x8x32x128xf32, #tpu.memory_space<vmem>>[vector<16xi32>, vector<16xi32>, vector<16xi32>, vector<16xi32>], vector<16xf32>,
      %add3A_133 = arith.constant 16 : i32
      %add3A_134 = vector.broadcast %add3A_133 : i32 to vector<16xi32>
      %add3A_135 = arith.addi %iota3A, %add3A_134 : vector<16xi32>
      %gather3A_136 = tpu.vector_load_idx %arg6[%broadcast_in_dim3A, %broadcast_in_dim3A_131, %add3A_135, %broadcast_in_dim3A_129] : memref<2x8x32x128xf32, #tpu.memory_space<vmem>>[vector<16xi32>, vector<16xi32>, vector<16xi32>, vector<16xi32>], vector<16xf32>,
      %mul3A_137 = arith.constant 8 : i32
      %mul3A_138 = arith.muli %add3A_13, %mul3A_137 : i32
      %add3A_139 = arith.constant 2 : i32
      %add3A_140 = arith.addi %mul3A_138, %add3A_139 : i32
      %mul3A_141 = arith.constant 32 : i32
      %mul3A_142 = arith.muli %add3A_140, %mul3A_141 : i32
      %swap3A_143 = arith.index_cast %mul3A_142 : i32 to index
      %swap3A_144 = tpu.vector_load %arg7[%swap3A_143] {strides = array<i32>} : memref<16384xf32, #tpu.memory_space<vmem>>, vector<16xf32>,
      tpu.vector_store %arg7[%swap3A_143], %gather3A_132 {strides = array<i32>} : memref<16384xf32, #tpu.memory_space<vmem>>, vector<16xf32>,
      %mul3A_145 = arith.constant 8 : i32
      %mul3A_146 = arith.muli %add3A_13, %mul3A_145 : i32
      %add3A_147 = arith.constant 2 : i32
      %add3A_148 = arith.addi %mul3A_146, %add3A_147 : i32
      %mul3A_149 = arith.constant 32 : i32
      %mul3A_150 = arith.muli %add3A_148, %mul3A_149 : i32
      %add3A_151 = arith.constant 16 : i32
      %add3A_152 = arith.addi %mul3A_150, %add3A_151 : i32
      %swap3A_153 = arith.index_cast %add3A_152 : i32 to index
      %swap3A_154 = tpu.vector_load %arg7[%swap3A_153] {strides = array<i32>} : memref<16384xf32, #tpu.memory_space<vmem>>, vector<16xf32>,
      tpu.vector_store %arg7[%swap3A_153], %gather3A_136 {strides = array<i32>} : memref<16384xf32, #tpu.memory_space<vmem>>, vector<16xf32>,
      %dma_wait3A_155 = arith.constant 3 : i32
      %dma_wait3A_156 = arith.constant 0 : i32
      %dma_wait3A_157 = arith.constant 0 : i32
      %dma_wait3A_158 = tpu.memref_slice %arg6[%rem3A_14, %dma_wait3A_155, %dma_wait3A_156, %dma_wait3A_157] : memref<2x8x32x128xf32, #tpu.memory_space<vmem>> -> memref<1x1x32x128xf32, #tpu.memory_space<vmem>>
      %dma_wait3A_159 = tpu.memref_squeeze %dma_wait3A_158 : memref<1x1x32x128xf32, #tpu.memory_space<vmem>> -> memref<32x128xf32, #tpu.memory_space<vmem>>
      %dma_wait3A_160 = arith.constant 0 : i32
      %dma_wait3A_161 = arith.constant 0 : i32
      %dma_wait3A_162 = tpu.memref_slice %arg2[%dma_wait3A_160, %dma_wait3A_161] : memref<32x1000000xf32, #tpu.memory_space<hbm>> -> memref<32x128xf32, #tpu.memory_space<hbm>>
      %dma_wait3A_163 = arith.constant 0 : i32
      %dma_wait3A_164 = arith.constant 0 : i32
      %dma_wait3A_165 = tpu.memref_slice %arg6[%rem3A_14, %dma_wait3A_155, %dma_wait3A_163, %dma_wait3A_164] : memref<2x8x32x128xf32, #tpu.memory_space<vmem>> -> memref<1x1x32x128xf32, #tpu.memory_space<vmem>>
      %dma_wait3A_166 = tpu.memref_squeeze %dma_wait3A_165 : memref<1x1x32x128xf32, #tpu.memory_space<vmem>> -> memref<32x128xf32, #tpu.memory_space<vmem>>
      %dma_wait3A_167 = arith.constant 0 : i32
      %dma_wait3A_168 = arith.constant 0 : i32
      %dma_wait3A_169 = tpu.memref_slice %arg2[%dma_wait3A_167, %dma_wait3A_168] : memref<32x1000000xf32, #tpu.memory_space<hbm>> -> memref<32x128xf32, #tpu.memory_space<hbm>>
      tpu.wait_dma2 semaphore(%arg8 : memref<!tpu.dma_semaphore, #tpu.memory_space<semaphore_mem>>) src(%dma_wait3A_169 : memref<32x128xf32, #tpu.memory_space<hbm>>) dst(%dma_wait3A_166 : memref<32x128xf32, #tpu.memory_space<vmem>>)
      %slice3A_170 = vector.extract_strided_slice %get3A_25 {offsets = [3], sizes = [1], strides = [1]} : vector<16xi32> to vector<1xi32>
      %squeeze3A_171 = vector.extract %slice3A_170[0] : i32 from vector<1xi32>
      %and3A_172 = arith.constant 127 : i32
      %and3A_173 = arith.andi %squeeze3A_171, %and3A_172 : i32
      %broadcast_in_dim3A_174 = vector.broadcast %and3A_173 : i32 to vector<16xi32>
      %broadcast_in_dim3A_175 = arith.constant 3 : i32
      %broadcast_in_dim3A_176 = vector.broadcast %broadcast_in_dim3A_175 : i32 to vector<16xi32>
      %gather3A_177 = tpu.vector_load_idx %arg6[%broadcast_in_dim3A, %broadcast_in_dim3A_176, %iota3A, %broadcast_in_dim3A_174] : memref<2x8x32x128xf32, #tpu.memory_space<vmem>>[vector<16xi32>, vector<16xi32>, vector<16xi32>, vector<16xi32>], vector<16xf32>,
      %add3A_178 = arith.constant 16 : i32
      %add3A_179 = vector.broadcast %add3A_178 : i32 to vector<16xi32>
      %add3A_180 = arith.addi %iota3A, %add3A_179 : vector<16xi32>
      %gather3A_181 = tpu.vector_load_idx %arg6[%broadcast_in_dim3A, %broadcast_in_dim3A_176, %add3A_180, %broadcast_in_dim3A_174] : memref<2x8x32x128xf32, #tpu.memory_space<vmem>>[vector<16xi32>, vector<16xi32>, vector<16xi32>, vector<16xi32>], vector<16xf32>,
      %mul3A_182 = arith.constant 8 : i32
      %mul3A_183 = arith.muli %add3A_13, %mul3A_182 : i32
      %add3A_184 = arith.constant 3 : i32
      %add3A_185 = arith.addi %mul3A_183, %add3A_184 : i32
      %mul3A_186 = arith.constant 32 : i32
      %mul3A_187 = arith.muli %add3A_185, %mul3A_186 : i32
      %swap3A_188 = arith.index_cast %mul3A_187 : i32 to index
      %swap3A_189 = tpu.vector_load %arg7[%swap3A_188] {strides = array<i32>} : memref<16384xf32, #tpu.memory_space<vmem>>, vector<16xf32>,
      tpu.vector_store %arg7[%swap3A_188], %gather3A_177 {strides = array<i32>} : memref<16384xf32, #tpu.memory_space<vmem>>, vector<16xf32>,
      %mul3A_190 = arith.constant 8 : i32
      %mul3A_191 = arith.muli %add3A_13, %mul3A_190 : i32
      %add3A_192 = arith.constant 3 : i32
      %add3A_193 = arith.addi %mul3A_191, %add3A_192 : i32
      %mul3A_194 = arith.constant 32 : i32
      %mul3A_195 = arith.muli %add3A_193, %mul3A_194 : i32
      %add3A_196 = arith.constant 16 : i32
      %add3A_197 = arith.addi %mul3A_195, %add3A_196 : i32
      %swap3A_198 = arith.index_cast %add3A_197 : i32 to index
      %swap3A_199 = tpu.vector_load %arg7[%swap3A_198] {strides = array<i32>} : memref<16384xf32, #tpu.memory_space<vmem>>, vector<16xf32>,
      tpu.vector_store %arg7[%swap3A_198], %gather3A_181 {strides = array<i32>} : memref<16384xf32, #tpu.memory_space<vmem>>, vector<16xf32>,
      %dma_wait3A_200 = arith.constant 4 : i32
      %dma_wait3A_201 = arith.constant 0 : i32
      %dma_wait3A_202 = arith.constant 0 : i32
      %dma_wait3A_203 = tpu.memref_slice %arg6[%rem3A_14, %dma_wait3A_200, %dma_wait3A_201, %dma_wait3A_202] : memref<2x8x32x128xf32, #tpu.memory_space<vmem>> -> memref<1x1x32x128xf32, #tpu.memory_space<vmem>>
      %dma_wait3A_204 = tpu.memref_squeeze %dma_wait3A_203 : memref<1x1x32x128xf32, #tpu.memory_space<vmem>> -> memref<32x128xf32, #tpu.memory_space<vmem>>
      %dma_wait3A_205 = arith.constant 0 : i32
      %dma_wait3A_206 = arith.constant 0 : i32
      %dma_wait3A_207 = tpu.memref_slice %arg2[%dma_wait3A_205, %dma_wait3A_206] : memref<32x1000000xf32, #tpu.memory_space<hbm>> -> memref<32x128xf32, #tpu.memory_space<hbm>>
      %dma_wait3A_208 = arith.constant 0 : i32
      %dma_wait3A_209 = arith.constant 0 : i32
      %dma_wait3A_210 = tpu.memref_slice %arg6[%rem3A_14, %dma_wait3A_200, %dma_wait3A_208, %dma_wait3A_209] : memref<2x8x32x128xf32, #tpu.memory_space<vmem>> -> memref<1x1x32x128xf32, #tpu.memory_space<vmem>>
      %dma_wait3A_211 = tpu.memref_squeeze %dma_wait3A_210 : memref<1x1x32x128xf32, #tpu.memory_space<vmem>> -> memref<32x128xf32, #tpu.memory_space<vmem>>
      %dma_wait3A_212 = arith.constant 0 : i32
      %dma_wait3A_213 = arith.constant 0 : i32
      %dma_wait3A_214 = tpu.memref_slice %arg2[%dma_wait3A_212, %dma_wait3A_213] : memref<32x1000000xf32, #tpu.memory_space<hbm>> -> memref<32x128xf32, #tpu.memory_space<hbm>>
      tpu.wait_dma2 semaphore(%arg8 : memref<!tpu.dma_semaphore, #tpu.memory_space<semaphore_mem>>) src(%dma_wait3A_214 : memref<32x128xf32, #tpu.memory_space<hbm>>) dst(%dma_wait3A_211 : memref<32x128xf32, #tpu.memory_space<vmem>>)
      %slice3A_215 = vector.extract_strided_slice %get3A_25 {offsets = [4], sizes = [1], strides = [1]} : vector<16xi32> to vector<1xi32>
      %squeeze3A_216 = vector.extract %slice3A_215[0] : i32 from vector<1xi32>
      %and3A_217 = arith.constant 127 : i32
      %and3A_218 = arith.andi %squeeze3A_216, %and3A_217 : i32
      %broadcast_in_dim3A_219 = vector.broadcast %and3A_218 : i32 to vector<16xi32>
      %broadcast_in_dim3A_220 = arith.constant 4 : i32
      %broadcast_in_dim3A_221 = vector.broadcast %broadcast_in_dim3A_220 : i32 to vector<16xi32>
      %gather3A_222 = tpu.vector_load_idx %arg6[%broadcast_in_dim3A, %broadcast_in_dim3A_221, %iota3A, %broadcast_in_dim3A_219] : memref<2x8x32x128xf32, #tpu.memory_space<vmem>>[vector<16xi32>, vector<16xi32>, vector<16xi32>, vector<16xi32>], vector<16xf32>,
      %add3A_223 = arith.constant 16 : i32
      %add3A_224 = vector.broadcast %add3A_223 : i32 to vector<16xi32>
      %add3A_225 = arith.addi %iota3A, %add3A_224 : vector<16xi32>
      %gather3A_226 = tpu.vector_load_idx %arg6[%broadcast_in_dim3A, %broadcast_in_dim3A_221, %add3A_225, %broadcast_in_dim3A_219] : memref<2x8x32x128xf32, #tpu.memory_space<vmem>>[vector<16xi32>, vector<16xi32>, vector<16xi32>, vector<16xi32>], vector<16xf32>,
      %mul3A_227 = arith.constant 8 : i32
      %mul3A_228 = arith.muli %add3A_13, %mul3A_227 : i32
      %add3A_229 = arith.constant 4 : i32
      %add3A_230 = arith.addi %mul3A_228, %add3A_229 : i32
      %mul3A_231 = arith.constant 32 : i32
      %mul3A_232 = arith.muli %add3A_230, %mul3A_231 : i32
      %swap3A_233 = arith.index_cast %mul3A_232 : i32 to index
      %swap3A_234 = tpu.vector_load %arg7[%swap3A_233] {strides = array<i32>} : memref<16384xf32, #tpu.memory_space<vmem>>, vector<16xf32>,
      tpu.vector_store %arg7[%swap3A_233], %gather3A_222 {strides = array<i32>} : memref<16384xf32, #tpu.memory_space<vmem>>, vector<16xf32>,
      %mul3A_235 = arith.constant 8 : i32
      %mul3A_236 = arith.muli %add3A_13, %mul3A_235 : i32
      %add3A_237 = arith.constant 4 : i32
      %add3A_238 = arith.addi %mul3A_236, %add3A_237 : i32
      %mul3A_239 = arith.constant 32 : i32
      %mul3A_240 = arith.muli %add3A_238, %mul3A_239 : i32
      %add3A_241 = arith.constant 16 : i32
      %add3A_242 = arith.addi %mul3A_240, %add3A_241 : i32
      %swap3A_243 = arith.index_cast %add3A_242 : i32 to index
      %swap3A_244 = tpu.vector_load %arg7[%swap3A_243] {strides = array<i32>} : memref<16384xf32, #tpu.memory_space<vmem>>, vector<16xf32>,
      tpu.vector_store %arg7[%swap3A_243], %gather3A_226 {strides = array<i32>} : memref<16384xf32, #tpu.memory_space<vmem>>, vector<16xf32>,
      %dma_wait3A_245 = arith.constant 5 : i32
      %dma_wait3A_246 = arith.constant 0 : i32
      %dma_wait3A_247 = arith.constant 0 : i32
      %dma_wait3A_248 = tpu.memref_slice %arg6[%rem3A_14, %dma_wait3A_245, %dma_wait3A_246, %dma_wait3A_247] : memref<2x8x32x128xf32, #tpu.memory_space<vmem>> -> memref<1x1x32x128xf32, #tpu.memory_space<vmem>>
      %dma_wait3A_249 = tpu.memref_squeeze %dma_wait3A_248 : memref<1x1x32x128xf32, #tpu.memory_space<vmem>> -> memref<32x128xf32, #tpu.memory_space<vmem>>
      %dma_wait3A_250 = arith.constant 0 : i32
      %dma_wait3A_251 = arith.constant 0 : i32
      %dma_wait3A_252 = tpu.memref_slice %arg2[%dma_wait3A_250, %dma_wait3A_251] : memref<32x1000000xf32, #tpu.memory_space<hbm>> -> memref<32x128xf32, #tpu.memory_space<hbm>>
      %dma_wait3A_253 = arith.constant 0 : i32
      %dma_wait3A_254 = arith.constant 0 : i32
      %dma_wait3A_255 = tpu.memref_slice %arg6[%rem3A_14, %dma_wait3A_245, %dma_wait3A_253, %dma_wait3A_254] : memref<2x8x32x128xf32, #tpu.memory_space<vmem>> -> memref<1x1x32x128xf32, #tpu.memory_space<vmem>>
      %dma_wait3A_256 = tpu.memref_squeeze %dma_wait3A_255 : memref<1x1x32x128xf32, #tpu.memory_space<vmem>> -> memref<32x128xf32, #tpu.memory_space<vmem>>
      %dma_wait3A_257 = arith.constant 0 : i32
      %dma_wait3A_258 = arith.constant 0 : i32
      %dma_wait3A_259 = tpu.memref_slice %arg2[%dma_wait3A_257, %dma_wait3A_258] : memref<32x1000000xf32, #tpu.memory_space<hbm>> -> memref<32x128xf32, #tpu.memory_space<hbm>>
      tpu.wait_dma2 semaphore(%arg8 : memref<!tpu.dma_semaphore, #tpu.memory_space<semaphore_mem>>) src(%dma_wait3A_259 : memref<32x128xf32, #tpu.memory_space<hbm>>) dst(%dma_wait3A_256 : memref<32x128xf32, #tpu.memory_space<vmem>>)
      %slice3A_260 = vector.extract_strided_slice %get3A_25 {offsets = [5], sizes = [1], strides = [1]} : vector<16xi32> to vector<1xi32>
      %squeeze3A_261 = vector.extract %slice3A_260[0] : i32 from vector<1xi32>
      %and3A_262 = arith.constant 127 : i32
      %and3A_263 = arith.andi %squeeze3A_261, %and3A_262 : i32
      %broadcast_in_dim3A_264 = vector.broadcast %and3A_263 : i32 to vector<16xi32>
      %broadcast_in_dim3A_265 = arith.constant 5 : i32
      %broadcast_in_dim3A_266 = vector.broadcast %broadcast_in_dim3A_265 : i32 to vector<16xi32>
      %gather3A_267 = tpu.vector_load_idx %arg6[%broadcast_in_dim3A, %broadcast_in_dim3A_266, %iota3A, %broadcast_in_dim3A_264] : memref<2x8x32x128xf32, #tpu.memory_space<vmem>>[vector<16xi32>, vector<16xi32>, vector<16xi32>, vector<16xi32>], vector<16xf32>,
      %add3A_268 = arith.constant 16 : i32
      %add3A_269 = vector.broadcast %add3A_268 : i32 to vector<16xi32>
      %add3A_270 = arith.addi %iota3A, %add3A_269 : vector<16xi32>
      %gather3A_271 = tpu.vector_load_idx %arg6[%broadcast_in_dim3A, %broadcast_in_dim3A_266, %add3A_270, %broadcast_in_dim3A_264] : memref<2x8x32x128xf32, #tpu.memory_space<vmem>>[vector<16xi32>, vector<16xi32>, vector<16xi32>, vector<16xi32>], vector<16xf32>,
      %mul3A_272 = arith.constant 8 : i32
      %mul3A_273 = arith.muli %add3A_13, %mul3A_272 : i32
      %add3A_274 = arith.constant 5 : i32
      %add3A_275 = arith.addi %mul3A_273, %add3A_274 : i32
      %mul3A_276 = arith.constant 32 : i32
      %mul3A_277 = arith.muli %add3A_275, %mul3A_276 : i32
      %swap3A_278 = arith.index_cast %mul3A_277 : i32 to index
      %swap3A_279 = tpu.vector_load %arg7[%swap3A_278] {strides = array<i32>} : memref<16384xf32, #tpu.memory_space<vmem>>, vector<16xf32>,
      tpu.vector_store %arg7[%swap3A_278], %gather3A_267 {strides = array<i32>} : memref<16384xf32, #tpu.memory_space<vmem>>, vector<16xf32>,
      %mul3A_280 = arith.constant 8 : i32
      %mul3A_281 = arith.muli %add3A_13, %mul3A_280 : i32
      %add3A_282 = arith.constant 5 : i32
      %add3A_283 = arith.addi %mul3A_281, %add3A_282 : i32
      %mul3A_284 = arith.constant 32 : i32
      %mul3A_285 = arith.muli %add3A_283, %mul3A_284 : i32
      %add3A_286 = arith.constant 16 : i32
      %add3A_287 = arith.addi %mul3A_285, %add3A_286 : i32
      %swap3A_288 = arith.index_cast %add3A_287 : i32 to index
      %swap3A_289 = tpu.vector_load %arg7[%swap3A_288] {strides = array<i32>} : memref<16384xf32, #tpu.memory_space<vmem>>, vector<16xf32>,
      tpu.vector_store %arg7[%swap3A_288], %gather3A_271 {strides = array<i32>} : memref<16384xf32, #tpu.memory_space<vmem>>, vector<16xf32>,
      %dma_wait3A_290 = arith.constant 6 : i32
      %dma_wait3A_291 = arith.constant 0 : i32
      %dma_wait3A_292 = arith.constant 0 : i32
      %dma_wait3A_293 = tpu.memref_slice %arg6[%rem3A_14, %dma_wait3A_290, %dma_wait3A_291, %dma_wait3A_292] : memref<2x8x32x128xf32, #tpu.memory_space<vmem>> -> memref<1x1x32x128xf32, #tpu.memory_space<vmem>>
      %dma_wait3A_294 = tpu.memref_squeeze %dma_wait3A_293 : memref<1x1x32x128xf32, #tpu.memory_space<vmem>> -> memref<32x128xf32, #tpu.memory_space<vmem>>
      %dma_wait3A_295 = arith.constant 0 : i32
      %dma_wait3A_296 = arith.constant 0 : i32
      %dma_wait3A_297 = tpu.memref_slice %arg2[%dma_wait3A_295, %dma_wait3A_296] : memref<32x1000000xf32, #tpu.memory_space<hbm>> -> memref<32x128xf32, #tpu.memory_space<hbm>>
      %dma_wait3A_298 = arith.constant 0 : i32
      %dma_wait3A_299 = arith.constant 0 : i32
      %dma_wait3A_300 = tpu.memref_slice %arg6[%rem3A_14, %dma_wait3A_290, %dma_wait3A_298, %dma_wait3A_299] : memref<2x8x32x128xf32, #tpu.memory_space<vmem>> -> memref<1x1x32x128xf32, #tpu.memory_space<vmem>>
      %dma_wait3A_301 = tpu.memref_squeeze %dma_wait3A_300 : memref<1x1x32x128xf32, #tpu.memory_space<vmem>> -> memref<32x128xf32, #tpu.memory_space<vmem>>
      %dma_wait3A_302 = arith.constant 0 : i32
      %dma_wait3A_303 = arith.constant 0 : i32
      %dma_wait3A_304 = tpu.memref_slice %arg2[%dma_wait3A_302, %dma_wait3A_303] : memref<32x1000000xf32, #tpu.memory_space<hbm>> -> memref<32x128xf32, #tpu.memory_space<hbm>>
      tpu.wait_dma2 semaphore(%arg8 : memref<!tpu.dma_semaphore, #tpu.memory_space<semaphore_mem>>) src(%dma_wait3A_304 : memref<32x128xf32, #tpu.memory_space<hbm>>) dst(%dma_wait3A_301 : memref<32x128xf32, #tpu.memory_space<vmem>>)
      %slice3A_305 = vector.extract_strided_slice %get3A_25 {offsets = [6], sizes = [1], strides = [1]} : vector<16xi32> to vector<1xi32>
      %squeeze3A_306 = vector.extract %slice3A_305[0] : i32 from vector<1xi32>
      %and3A_307 = arith.constant 127 : i32
      %and3A_308 = arith.andi %squeeze3A_306, %and3A_307 : i32
      %broadcast_in_dim3A_309 = vector.broadcast %and3A_308 : i32 to vector<16xi32>
      %broadcast_in_dim3A_310 = arith.constant 6 : i32
      %broadcast_in_dim3A_311 = vector.broadcast %broadcast_in_dim3A_310 : i32 to vector<16xi32>
      %gather3A_312 = tpu.vector_load_idx %arg6[%broadcast_in_dim3A, %broadcast_in_dim3A_311, %iota3A, %broadcast_in_dim3A_309] : memref<2x8x32x128xf32, #tpu.memory_space<vmem>>[vector<16xi32>, vector<16xi32>, vector<16xi32>, vector<16xi32>], vector<16xf32>,
      %add3A_313 = arith.constant 16 : i32
      %add3A_314 = vector.broadcast %add3A_313 : i32 to vector<16xi32>
      %add3A_315 = arith.addi %iota3A, %add3A_314 : vector<16xi32>
      %gather3A_316 = tpu.vector_load_idx %arg6[%broadcast_in_dim3A, %broadcast_in_dim3A_311, %add3A_315, %broadcast_in_dim3A_309] : memref<2x8x32x128xf32, #tpu.memory_space<vmem>>[vector<16xi32>, vector<16xi32>, vector<16xi32>, vector<16xi32>], vector<16xf32>,
      %mul3A_317 = arith.constant 8 : i32
      %mul3A_318 = arith.muli %add3A_13, %mul3A_317 : i32
      %add3A_319 = arith.constant 6 : i32
      %add3A_320 = arith.addi %mul3A_318, %add3A_319 : i32
      %mul3A_321 = arith.constant 32 : i32
      %mul3A_322 = arith.muli %add3A_320, %mul3A_321 : i32
      %swap3A_323 = arith.index_cast %mul3A_322 : i32 to index
      %swap3A_324 = tpu.vector_load %arg7[%swap3A_323] {strides = array<i32>} : memref<16384xf32, #tpu.memory_space<vmem>>, vector<16xf32>,
      tpu.vector_store %arg7[%swap3A_323], %gather3A_312 {strides = array<i32>} : memref<16384xf32, #tpu.memory_space<vmem>>, vector<16xf32>,
      %mul3A_325 = arith.constant 8 : i32
      %mul3A_326 = arith.muli %add3A_13, %mul3A_325 : i32
      %add3A_327 = arith.constant 6 : i32
      %add3A_328 = arith.addi %mul3A_326, %add3A_327 : i32
      %mul3A_329 = arith.constant 32 : i32
      %mul3A_330 = arith.muli %add3A_328, %mul3A_329 : i32
      %add3A_331 = arith.constant 16 : i32
      %add3A_332 = arith.addi %mul3A_330, %add3A_331 : i32
      %swap3A_333 = arith.index_cast %add3A_332 : i32 to index
      %swap3A_334 = tpu.vector_load %arg7[%swap3A_333] {strides = array<i32>} : memref<16384xf32, #tpu.memory_space<vmem>>, vector<16xf32>,
      tpu.vector_store %arg7[%swap3A_333], %gather3A_316 {strides = array<i32>} : memref<16384xf32, #tpu.memory_space<vmem>>, vector<16xf32>,
      %dma_wait3A_335 = arith.constant 7 : i32
      %dma_wait3A_336 = arith.constant 0 : i32
      %dma_wait3A_337 = arith.constant 0 : i32
      %dma_wait3A_338 = tpu.memref_slice %arg6[%rem3A_14, %dma_wait3A_335, %dma_wait3A_336, %dma_wait3A_337] : memref<2x8x32x128xf32, #tpu.memory_space<vmem>> -> memref<1x1x32x128xf32, #tpu.memory_space<vmem>>
      %dma_wait3A_339 = tpu.memref_squeeze %dma_wait3A_338 : memref<1x1x32x128xf32, #tpu.memory_space<vmem>> -> memref<32x128xf32, #tpu.memory_space<vmem>>
      %dma_wait3A_340 = arith.constant 0 : i32
      %dma_wait3A_341 = arith.constant 0 : i32
      %dma_wait3A_342 = tpu.memref_slice %arg2[%dma_wait3A_340, %dma_wait3A_341] : memref<32x1000000xf32, #tpu.memory_space<hbm>> -> memref<32x128xf32, #tpu.memory_space<hbm>>
      %dma_wait3A_343 = arith.constant 0 : i32
      %dma_wait3A_344 = arith.constant 0 : i32
      %dma_wait3A_345 = tpu.memref_slice %arg6[%rem3A_14, %dma_wait3A_335, %dma_wait3A_343, %dma_wait3A_344] : memref<2x8x32x128xf32, #tpu.memory_space<vmem>> -> memref<1x1x32x128xf32, #tpu.memory_space<vmem>>
      %dma_wait3A_346 = tpu.memref_squeeze %dma_wait3A_345 : memref<1x1x32x128xf32, #tpu.memory_space<vmem>> -> memref<32x128xf32, #tpu.memory_space<vmem>>
      %dma_wait3A_347 = arith.constant 0 : i32
      %dma_wait3A_348 = arith.constant 0 : i32
      %dma_wait3A_349 = tpu.memref_slice %arg2[%dma_wait3A_347, %dma_wait3A_348] : memref<32x1000000xf32, #tpu.memory_space<hbm>> -> memref<32x128xf32, #tpu.memory_space<hbm>>
      tpu.wait_dma2 semaphore(%arg8 : memref<!tpu.dma_semaphore, #tpu.memory_space<semaphore_mem>>) src(%dma_wait3A_349 : memref<32x128xf32, #tpu.memory_space<hbm>>) dst(%dma_wait3A_346 : memref<32x128xf32, #tpu.memory_space<vmem>>)
      %slice3A_350 = vector.extract_strided_slice %get3A_25 {offsets = [7], sizes = [1], strides = [1]} : vector<16xi32> to vector<1xi32>
      %squeeze3A_351 = vector.extract %slice3A_350[0] : i32 from vector<1xi32>
      %and3A_352 = arith.constant 127 : i32
      %and3A_353 = arith.andi %squeeze3A_351, %and3A_352 : i32
      %broadcast_in_dim3A_354 = vector.broadcast %and3A_353 : i32 to vector<16xi32>
      %broadcast_in_dim3A_355 = arith.constant 7 : i32
      %broadcast_in_dim3A_356 = vector.broadcast %broadcast_in_dim3A_355 : i32 to vector<16xi32>
      %gather3A_357 = tpu.vector_load_idx %arg6[%broadcast_in_dim3A, %broadcast_in_dim3A_356, %iota3A, %broadcast_in_dim3A_354] : memref<2x8x32x128xf32, #tpu.memory_space<vmem>>[vector<16xi32>, vector<16xi32>, vector<16xi32>, vector<16xi32>], vector<16xf32>,
      %add3A_358 = arith.constant 16 : i32
      %add3A_359 = vector.broadcast %add3A_358 : i32 to vector<16xi32>
      %add3A_360 = arith.addi %iota3A, %add3A_359 : vector<16xi32>
      %gather3A_361 = tpu.vector_load_idx %arg6[%broadcast_in_dim3A, %broadcast_in_dim3A_356, %add3A_360, %broadcast_in_dim3A_354] : memref<2x8x32x128xf32, #tpu.memory_space<vmem>>[vector<16xi32>, vector<16xi32>, vector<16xi32>, vector<16xi32>], vector<16xf32>,
      %mul3A_362 = arith.constant 8 : i32
      %mul3A_363 = arith.muli %add3A_13, %mul3A_362 : i32
      %add3A_364 = arith.constant 7 : i32
      %add3A_365 = arith.addi %mul3A_363, %add3A_364 : i32
      %mul3A_366 = arith.constant 32 : i32
      %mul3A_367 = arith.muli %add3A_365, %mul3A_366 : i32
      %swap3A_368 = arith.index_cast %mul3A_367 : i32 to index
      %swap3A_369 = tpu.vector_load %arg7[%swap3A_368] {strides = array<i32>} : memref<16384xf32, #tpu.memory_space<vmem>>, vector<16xf32>,
      tpu.vector_store %arg7[%swap3A_368], %gather3A_357 {strides = array<i32>} : memref<16384xf32, #tpu.memory_space<vmem>>, vector<16xf32>,
      %mul3A_370 = arith.constant 8 : i32
      %mul3A_371 = arith.muli %add3A_13, %mul3A_370 : i32
      %add3A_372 = arith.constant 7 : i32
      %add3A_373 = arith.addi %mul3A_371, %add3A_372 : i32
      %mul3A_374 = arith.constant 32 : i32
      %mul3A_375 = arith.muli %add3A_373, %mul3A_374 : i32
      %add3A_376 = arith.constant 16 : i32
      %add3A_377 = arith.addi %mul3A_375, %add3A_376 : i32
      %swap3A_378 = arith.index_cast %add3A_377 : i32 to index
      %swap3A_379 = tpu.vector_load %arg7[%swap3A_378] {strides = array<i32>} : memref<16384xf32, #tpu.memory_space<vmem>>, vector<16xf32>,
      tpu.vector_store %arg7[%swap3A_378], %gather3A_361 {strides = array<i32>} : memref<16384xf32, #tpu.memory_space<vmem>>, vector<16xf32>,
    }
    %scan3A_6 = arith.constant 64 : i32
    %mul3A_7 = arith.constant 32 : i32
    %mul3A_8 = arith.muli %mul3A_2, %mul3A_7 : i32
    "tpu.region"() ({
      %run_scoped3A = tpu.sem_alloc : memref<!tpu.dma_semaphore, #tpu.memory_space<semaphore_mem>>
      %dma_start3A = tpu.memref_slice %arg4[%mul3A_8] : memref<524288xf32, #tpu.memory_space<hbm>> -> memref<16384xf32, #tpu.memory_space<hbm>>
      %dma_start3A_9 = tpu.memref_slice %arg4[%mul3A_8] : memref<524288xf32, #tpu.memory_space<hbm>> -> memref<16384xf32, #tpu.memory_space<hbm>>
      tpu.enqueue_dma source(%arg7 : memref<16384xf32, #tpu.memory_space<vmem>>) target(%dma_start3A_9 : memref<16384xf32, #tpu.memory_space<hbm>>) target_semaphore(%run_scoped3A : memref<!tpu.dma_semaphore, #tpu.memory_space<semaphore_mem>>)
      %dma_wait3A = tpu.memref_slice %arg4[%mul3A_8] : memref<524288xf32, #tpu.memory_space<hbm>> -> memref<16384xf32, #tpu.memory_space<hbm>>
      %dma_wait3A_10 = tpu.memref_slice %arg4[%mul3A_8] : memref<524288xf32, #tpu.memory_space<hbm>> -> memref<16384xf32, #tpu.memory_space<hbm>>
      tpu.wait_dma2 semaphore(%run_scoped3A : memref<!tpu.dma_semaphore, #tpu.memory_space<semaphore_mem>>) src(%arg7 : memref<16384xf32, #tpu.memory_space<vmem>>) dst(%dma_wait3A_10 : memref<16384xf32, #tpu.memory_space<hbm>>)
      tpu.yield
    }) : () -> ()
    return
  }
}

module attributes {stable_mosaic.version = 14 : i64} {
  func.func @_mlp_body(%arg0: i32, %arg1: memref<2048x128xf32, #tpu.memory_space<vmem>>, %arg2: memref<128x512xf32, #tpu.memory_space<vmem>>, %arg3: memref<1x512xf32, #tpu.memory_space<vmem>>, %arg4: memref<64x128xf32, #tpu.memory_space<vmem>>, %arg5: memref<64x1xf32, #tpu.memory_space<vmem>>, %arg6: memref<64x8192xf32, #tpu.memory_space<vmem>>) attributes {dimension_semantics = [#tpu.dimension_semantics<arbitrary>], iteration_bounds = array<i64: 2>, scalar_prefetch = 0 : i64, scratch_operands = 0 : i64, tpu.core_type = #tpu.core_type<tc>, window_params = [{transform_indices = @transform_0, window_bounds = array<i64: 2048, 128>}, {pipeline_mode = #tpu.pipeline_mode<synchronous>, transform_indices = @transform_1, window_bounds = array<i64: 128, 512>}, {pipeline_mode = #tpu.pipeline_mode<synchronous>, transform_indices = @transform_2, window_bounds = array<i64: 1, 512>}, {pipeline_mode = #tpu.pipeline_mode<synchronous>, transform_indices = @transform_3, window_bounds = array<i64: 64, 128>}, {pipeline_mode = #tpu.pipeline_mode<synchronous>, transform_indices = @transform_4, window_bounds = array<i64: 64, 1>}, {transform_indices = @transform_5, window_bounds = array<i64: 64, 8192>}]} {
    %get3A = arith.constant 0 : index
    %get3A_0 = arith.constant 0 : index
    %get3A_1 = vector.load %arg1[%get3A, %get3A_0] : memref<2048x128xf32, #tpu.memory_space<vmem>>, vector<2048x128xf32>
    %get3A_2 = arith.constant 0 : index
    %get3A_3 = arith.constant 0 : index
    %get3A_4 = vector.load %arg2[%get3A_2, %get3A_3] : memref<128x512xf32, #tpu.memory_space<vmem>>, vector<128x512xf32>
    %dot_general3A = arith.constant dense<0.000000e+00> : vector<2048x512xf32>
    %dot_general3A_5 = tpu.matmul %get3A_1, %get3A_4, %dot_general3A {dimension_numbers = #tpu.dot_dimension_numbers<[1], [0], [0], [1], [0, 0, 1, 1], [], []>, transpose_lhs_hint = false} : vector<2048x128xf32>, vector<128x512xf32>, vector<2048x512xf32> -> vector<2048x512xf32>
    %get3A_6 = arith.constant 0 : index
    %get3A_7 = arith.constant 0 : index
    %get3A_8 = vector.load %arg3[%get3A_6, %get3A_7] : memref<1x512xf32, #tpu.memory_space<vmem>>, vector<1x512xf32>
    %add3A = vector.broadcast %get3A_8 : vector<1x512xf32> to vector<2048x512xf32>
    %add3A_9 = arith.addf %dot_general3A_5, %add3A : vector<2048x512xf32>
    %tanh3A = math.tanh %add3A_9 : vector<2048x512xf32>
    %reshape3A = vector.shape_cast %tanh3A : vector<2048x512xf32> to vector<8192x128xf32>
    %get3A_10 = arith.constant 0 : index
    %get3A_11 = arith.constant 0 : index
    %get3A_12 = vector.load %arg4[%get3A_10, %get3A_11] : memref<64x128xf32, #tpu.memory_space<vmem>>, vector<64x128xf32>
    %dot_general3A_13 = arith.constant dense<0.000000e+00> : vector<64x8192xf32>
    %dot_general3A_14 = tpu.matmul %get3A_12, %reshape3A, %dot_general3A_13 {dimension_numbers = #tpu.dot_dimension_numbers<[1], [1], [0], [0], [0, 0, 1, 0], [], []>, transpose_lhs_hint = false} : vector<64x128xf32>, vector<8192x128xf32>, vector<64x8192xf32> -> vector<64x8192xf32>
    %get3A_15 = arith.constant 0 : index
    %get3A_16 = arith.constant 0 : index
    %get3A_17 = vector.load %arg5[%get3A_15, %get3A_16] : memref<64x1xf32, #tpu.memory_space<vmem>>, vector<64x1xf32>
    %add3A_18 = vector.broadcast %get3A_17 : vector<64x1xf32> to vector<64x8192xf32>
    %add3A_19 = arith.addf %dot_general3A_14, %add3A_18 : vector<64x8192xf32>
    %logistic3A = arith.negf %add3A_19 : vector<64x8192xf32>
    %logistic3A_20 = math.exp %logistic3A : vector<64x8192xf32>
    %logistic3A_21 = arith.constant 1.000000e+00 : f32
    %logistic3A_22 = vector.broadcast %logistic3A_21 : f32 to vector<64x8192xf32>
    %logistic3A_23 = arith.addf %logistic3A_22, %logistic3A_20 : vector<64x8192xf32>
    %logistic3A_24 = arith.divf %logistic3A_22, %logistic3A_23 : vector<64x8192xf32>
    %swap3A = arith.constant 0 : index
    %swap3A_25 = arith.constant 0 : index
    %swap3A_26 = vector.load %arg6[%swap3A, %swap3A_25] : memref<64x8192xf32, #tpu.memory_space<vmem>>, vector<64x8192xf32>
    tpu.vector_store %arg6[%swap3A, %swap3A_25], %logistic3A_24 {strides = array<i32>} : memref<64x8192xf32, #tpu.memory_space<vmem>>, vector<64x8192xf32>,
    return
  }
  func.func @transform_0(%arg0: i32) -> (i32, i32) {
    %c0_i32 = arith.constant 0 : i32
    %c0_i32_0 = arith.constant 0 : i32
    return %arg0, %c0_i32 : i32, i32
  }
  func.func @transform_1(%arg0: i32) -> (i32, i32) {
    %c0_i32 = arith.constant 0 : i32
    %c0_i32_0 = arith.constant 0 : i32
    %c0_i32_1 = arith.constant 0 : i32
    return %c0_i32, %c0_i32_0 : i32, i32
  }
  func.func @transform_2(%arg0: i32) -> (i32, i32) {
    %c0_i32 = arith.constant 0 : i32
    %c0_i32_0 = arith.constant 0 : i32
    %c0_i32_1 = arith.constant 0 : i32
    return %c0_i32, %c0_i32_0 : i32, i32
  }
  func.func @transform_3(%arg0: i32) -> (i32, i32) {
    %c0_i32 = arith.constant 0 : i32
    %c0_i32_0 = arith.constant 0 : i32
    %c0_i32_1 = arith.constant 0 : i32
    return %c0_i32, %c0_i32_0 : i32, i32
  }
  func.func @transform_4(%arg0: i32) -> (i32, i32) {
    %c0_i32 = arith.constant 0 : i32
    %c0_i32_0 = arith.constant 0 : i32
    %c0_i32_1 = arith.constant 0 : i32
    return %c0_i32, %c0_i32_0 : i32, i32
  }
  func.func @transform_5(%arg0: i32) -> (i32, i32) {
    %c0_i32 = arith.constant 0 : i32
    %c0_i32_0 = arith.constant 0 : i32
    return %c0_i32, %arg0 : i32, i32
  }
}

</mosaic_0001>

<sc_bundles>
// kernel: kernel.4.cloned.1.call-start
scs
__scs_entry_jumppad:
0x0: {  	(pc) =	sbr.rel $0x88, $3  }
0x1: {  	(tag) =	ssettag $0x0;
	lr =	simm.s32 $0x1  }
0x2: {  	[smem:$0x3F9B] =	sst lr;
	_ =	strace $0xD0000000  }
0x3: {  	_ = 	snop  }
0x4: {  	_ = 	snop  }
0x5: {  	_ = 	snop  }
0x6: {  	_ = 	snop  }
0x7: {  	_ = 	snop  }
__scs_overlays_trampoline_lowered:
0x8: {  	[smem:$0x3FAA] =	sst s0  }
0x9: {  	[smem:$0x3FAB] =	sst s1  }
0xa: {  	[smem:$0x3FAC] =	sst s2  }
0xb: {  	[smem:$0x3FAD] =	sst s3  }
0xc: {  	[smem:$0x3FAE] =	sst s4  }
0xd: {  	[smem:$0x3FAF] =	sst s5  }
0xe: {  	[smem:$0x3FB0] =	sst s6  }
0xf: {  	[smem:$0x3FB1] =	sst s7  }
0x10: {  	[smem:$0x3FB2] =	sst s8  }
0x11: {  	[smem:$0x3FB3] =	sst s9;
	s0 =	simm.s32 @!p0 $0x0  }
0x12: {  	s1 =	sld [smem:$0x3F99];
	s0 =	simm.s32 @p0 $0x1  }
0x13: {  	[smem:$0x3FB4] =	sst s0;
	s0 =	simm.s32 @!p1 $0x0  }
0x14: {  	s2 =	sld [smem:$0x3F98];
	s0 =	simm.s32 @p1 $0x1  }
0x15: {  	[smem:$0x3FB5] =	sst s0;
	s0 =	simm.s32 @!p2 $0x0  }
0x16: {  	s3 =	sld [smem:$0x3FDB];
	s0 =	simm.s32 @p2 $0x1  }
0x17: {  	s4 =	simm.s32 $0x1BF5;
	[smem:$0x3FB7] =	sst s0  }
0x18: {  	s0 =	sld [smem:$0x3F9A];
	_ =	swait.ge [sflag:s4], $0x0  }
0x19: {  	s7 =	sld [smem:$0x3F9B]  }
0x1a: {  	s8 =	sadd.s32 $0xFFFFE003, lr  }
0x1b: {  	s9 =	sadd.s32 $0xFFFFFEF7, lr;
	s5 =	simm.s32 $0xFFFFFFFF;
	p2 =	slt.u32 s8, $0xFFFFF086  }
0x1c: {  	p1 =	slt.u32 s9, $0xF7A;
	s5 =	simm.s32 @!p2 $0x0  }
0x1d: {  	s5 =	simm.s32 @p1 $0x1;
	p0 =	seq.s32 s7, s2  }
0x1e: {  	s7 =	smul.u32 @!p0 $0xF7A, s2;
	p2 =	seq.s32 @!p0 s5, $0x0  }
0x1f: {  	s9 =	smul.u32 $0xF7A, s1;
	s8 =	simm.s32 @!p0 $0x1BF5;
	p2 =	por !p2, p0  }
0x20: {  	[sflag:s8] =	ssyncset.s32 @!p0 $0xFFFFF086;
	s6 =	sadd.s32 @!p0 s3, s7;
	s7 =	simm.s32 @!p0 $0x108  }
0x21: {  	s3 =	sadd.s32 s3, s9;
	s6 =	sadd.s32 @!p0 $0x88, s6;
	s7 =	simm.s32 @p2 $0x1082  }
0x22: {  	[simem:s7], [sflag:s8] =	dma.local @!p0 [hbm:s6], $0xF7A  }
0x23: {  	s9 =	sor.u32 $0xD0000000, s2;
	s6 =	simm.s32 $0x108;
	_ =	swait.ge @!p0 [sflag:s8], $0x0  }
0x24: {  	s3 =	sadd.s32 $0x88, s3;
	s6 =	simm.s32 @!p1 $0x1082;
	[sflag:s4] =	ssyncset.s32 $0xFFFFF086  }
0x25: {  	[simem:s6], [sflag:s4] =	dma.local [hbm:s3], $0xF7A  }
0x26: {  	[smem:$0x3F9B] =	sst s1;
	(tag) =	ssettag s2;
	_ =	strace s9  }
0x27: {  	s1 =	sld [smem:$0x3FAB]  }
0x28: {  	s2 =	sld [smem:$0x3FAC]  }
0x29: {  	s4 =	sld [smem:$0x3FAE]  }
0x2a: {  	p0 =	seq.s32 s5, $0x0;
	s5 =	sld [smem:$0x3FAF]  }
0x2b: {  	s6 =	sld [smem:$0x3FB0]  }
0x2c: {  	s7 =	sld [smem:$0x3FB1]  }
0x2d: {  	s3 =	simm.s32 $0x108;
	s8 =	sld [smem:$0x3FB2]  }
0x2e: {  	s3 =	simm.s32 @!p0 $0x1082;
	s9 =	sld [smem:$0x3FB3]  }
0x2f: {  	lr =	sadd.s32 s0, s3;
	s0 =	sld [smem:$0x3FAA]  }
0x30: {  	s3 =	sld [smem:$0x3FAD]  }
0x31: {  	[smem:$0x3FB6] =	sst s10  }
0x32: {  	s10 =	sld [smem:$0x3FB4];
	_ =	sdelay $0x3  }
0x33: {  	p0 =	seq.s32 s10, $0x1;
	s10 =	sld [smem:$0x3FB6];
	_ =	sdelay $0x3  }
0x34: {  	[smem:$0x3FB6] =	sst s10  }
0x35: {  	s10 =	sld [smem:$0x3FB5];
	_ =	sdelay $0x3  }
0x36: {  	p1 =	seq.s32 s10, $0x1;
	s10 =	sld [smem:$0x3FB6];
	_ =	sdelay $0x3  }
0x37: {  	[smem:$0x3FB6] =	sst s10  }
0x38: {  	s10 =	sld [smem:$0x3FB7]  }
0x39: {  	_ = 	snop;
	(pc) =	sbr.ind lr, $3  }
0x3a: {  	_ = 	snop  }
0x3b: {  	_ = 	snop  }
0x3c: {  	p2 =	seq.s32 s10, $0x1;
	s10 =	sld [smem:$0x3FB6]  }
0x3d: {  	_ =	shalt  }
0x3e: {  	_ =	shalt  }
0x3f: {  	_ =	shalt  }
0x40: {  	_ =	shalt  }
0x41: {  	_ =	shalt  }
0x42: {  	_ =	shalt  }
0x43: {  	_ =	shalt  }
0x44: {  	_ =	shalt  }
0x45: {  	_ =	shalt  }
0x46: {  	_ =	shalt  }
0x47: {  	_ =	shalt  }
0x48: {  	_ =	shalt  }
0x49: {  	_ =	shalt  }
0x4a: {  	_ =	shalt  }
0x4b: {  	_ =	shalt  }
0x4c: {  	_ =	shalt  }
0x4d: {  	_ =	shalt  }
0x4e: {  	_ =	shalt  }
0x4f: {  	_ =	shalt  }
0x50: {  	_ =	shalt  }
0x51: {  	_ =	shalt  }
0x52: {  	_ =	shalt  }
0x53: {  	_ =	shalt  }
0x54: {  	_ =	shalt  }
0x55: {  	_ =	shalt  }
0x56: {  	_ =	shalt  }
0x57: {  	_ =	shalt  }
0x58: {  	_ =	shalt  }
0x59: {  	_ =	shalt  }
0x5a: {  	_ =	shalt  }
0x5b: {  	_ =	shalt  }
0x5c: {  	_ =	shalt  }
0x5d: {  	_ =	shalt  }
0x5e: {  	_ =	shalt  }
0x5f: {  	_ =	shalt  }
0x60: {  	_ =	shalt  }
0x61: {  	_ =	shalt  }
0x62: {  	_ =	shalt  }
0x63: {  	_ =	shalt  }
0x64: {  	_ =	shalt  }
0x65: {  	_ =	shalt  }
0x66: {  	_ =	shalt  }
0x67: {  	_ =	shalt  }
0x68: {  	_ =	shalt  }
0x69: {  	_ =	shalt  }
0x6a: {  	_ =	shalt  }
0x6b: {  	_ =	shalt  }
0x6c: {  	_ =	shalt  }
0x6d: {  	_ =	shalt  }
0x6e: {  	_ =	shalt  }
0x6f: {  	_ =	shalt  }
0x70: {  	_ =	shalt  }
0x71: {  	_ =	shalt  }
0x72: {  	_ =	shalt  }
0x73: {  	_ =	shalt  }
0x74: {  	_ =	shalt  }
0x75: {  	_ =	shalt  }
0x76: {  	_ =	shalt  }
0x77: {  	_ =	shalt  }
0x78: {  	_ =	shalt  }
0x79: {  	_ =	shalt  }
0x7a: {  	_ =	shalt  }
0x7b: {  	_ =	shalt  }
0x7c: {  	_ =	shalt  }
0x7d: {  	_ =	shalt  }
0x7e: {  	_ =	shalt  }
0x7f: {  	_ =	shalt  }
0x80: {  	_ =	shalt  }
0x81: {  	_ =	shalt  }
0x82: {  	_ =	shalt  }
0x83: {  	_ =	shalt  }
0x84: {  	_ =	shalt  }
0x85: {  	_ =	shalt  }
0x86: {  	_ =	shalt  }
0x87: {  	_ =	shalt  }
.Lfunc_end0:
.L_simem_size_0:
called_computation_lowered:
.L_overlay_start_0:
0x88: {  	s2 =	sld [smem:$0x3FD9]  }
0x89: {  	s3 =	sld [smem:$0x3FFE];
	_ =	sdelay $0x1  }
0x8a: {  	s1 =	srdreg.scid  }
0x8b: {  	s0 =	sand.u32 $0x1, s1  }
0x8c: {  	s18 =	sshll.u32 s0, $0xA;
	s2 =	sadd.s32 s3, s2  }
0x8d: {  	s2 =	sadd.s32 s2, s18  }
0x8e: {  	[smem:$0x3FC2] =	sst s2  }
0x8f: {  	_ = 	snop  }
0x90: {  	s2 =	sld [smem:$0x3FC9]  }
0x91: {  	s19 =	sld [smem:$0x3FC8]  }
0x92: {  	s4 =	sld [smem:$0x3FD0];
	(tm) =	ssettm $0x1  }
0x93: {  	s5 =	sld [smem:$0x3FFB];
	_ =	sdelay $0x3  }
0x94: {  	_ =	strace s5  }
0x95: {  	s5 =	sld [smem:$0x3FFC];
	_ =	sdelay $0x3  }
0x96: {  	_ =	strace s5  }
0x97: {  	s5 =	sld [smem:$0x3FFD];
	_ =	sdelay $0x3  }
0x98: {  	_ =	strace s5  }
0x99: {  	_ =	strace $0x8FFFFFFF  }
0x9a: {  	s20 =	sld [smem:$0x3FDB];
	_ =	sdelay $0x1  }
0x9b: {  	s6 =	simm.s32 $_scs_section_size  }
0x9c: {  	s7 =	simm.s32 $_size__tile_overlayer_lowered;
	s8 =	simm.s32 $_tile_overlayer_lowered  }
0x9d: {  	s23 =	simm.s32 $0x1BFF;
	s22 =	sshll.u32 s8, $0x1;
	s5 =	sadd.s32 s6, s20  }
0x9e: {  	s9 =	simm.s32 $0x0;
	s21 =	sshll.u32 s7, $0x1;
	s7 =	sadd.s32 s22, s5  }
0x9f: {  	[timem:s9], [sflag:s23] =	dma.local [hbm:s7], s21  }
0xa0: {  	_ =	swait.ge [sflag:s23], s21  }
0xa1: {  	s6 =	ssub.s32 $0x0, s21;
	[sflag:s23] =	ssyncset.done $0x0  }
0xa2: {  	[sflag:s23] =	ssyncadd.s32 s6;
	_ =	sdelay $0x1  }
0xa3: {  	s24 =	simm.s32 $0x1B8B  }
0xa4: {  	_ =	swait.ge [sflag:s24], $0x1  }
0xa5: {  	[sflag:s24] =	ssyncset.done $0x0  }
0xa6: {  	s25 =	simm.s32 $0x1B8E;
	[sflag:s24] =	ssyncadd.s32 $0xFFFFFFFF  }
0xa7: {  	s26 =	simm.s32 $execute0_lowered;
	[smem:$0x3FD2] =	sst s25  }
0xa8: {  	s6 =	sshll.u32 s26, $0x1;
	_ =	strace $0x80000046;
	[dreg:$0x1] =	wrdreg $0xFFFFFFFF  }
0xa9: {  	s28 =	simm.s32 $_size_execute0_lowered;
	s5 =	sadd.s32 s5, s6;
	[dreg:$0x0] =	wrdreg $0x0  }
0xaa: {  	s6 =	sshll.u32 s28, $0x1;
	[dreg:$0x2] =	wrdreg s5  }
0xab: {  	[dreg:$0x3] =	wrdreg s6  }
0xac: {  	[dreg:$0x4] =	wrdreg $0xC0  }
0xad: {  	_ =	task [dreg:s9], $0x5FFFF  }
0xae: {  	[dreg:$0x1] =	wrdreg $0xFFFFFFFF  }
0xaf: {  	[dreg:$0x0] =	wrdreg $0x60  }
0xb0: {  	[dreg:$0x2] =	wrdreg s19  }
0xb1: {  	[dreg:$0x3] =	wrdreg s2  }
0xb2: {  	[dreg:$0x4] =	wrdreg s4  }
0xb3: {  	[dreg:$0x5] =	wrdreg $0x9  }
0xb4: {  	_ =	task.clear_ibuf [dreg:s9], $0x6FFFF;
	_ =	strace $0x90000046  }
0xb5: {  	s29 =	simm.s32 $0x9;
	_ =	strace $0x80000048  }
0xb6: {  	_ =	swait.ge [sflag:s29], $0x1  }
0xb7: {  	[sflag:s29] =	ssyncadd.s32 $0xFFFFFFFF  }
0xb8: {  	_ =	strace $0x90000048  }
0xb9: {  	_ =	sfence  }
0xba: {  	s30 =	sld [smem:$0x0];
	_ =	sdelay $0x2  }
0xbb: {  	s31 =	sshll.u32 s1, $0xD;
	s1 =	sshrl.u32 s1, $0x2  }
0xbc: {  	s3 =	sand.u32 $0x4000, s31;
	s1 =	sadd.s32 s1, s30  }
0xbd: {  	s0 =	sor.u32 s3, s0;
	s1 =	sshll.u32 s1, $0x11  }
0xbe: {  	s0 =	sor.u32 s1, s0  }
0xbf: {  	s0 =	sadd.s32 $0x8F2B, s0  }
0xc0: {  	[sflag:s0] =	ssyncadd.remote.s32 $0x1  }
0xc1: {  	_ =	sfence.sel $0xFFFF  }
0xc2: {  	[dreg:$0x0] =	wrdreg $0xFFFFFFFF;
	(pc) =	sbr.abs _section_cstart, $3  }
0xc3: {  	[dreg:$0x1] =	wrdreg $0xFFFFFFFF  }
0xc4: {  	_ =	task.clear_ibuf [dreg:s9], $0x2FFFF;
	_ =	strace $0x9FFFFFFF  }
0xc5: {  	(tm) =	ssettm $0x7FFFFFFF  }
tec
execute0_lowered:
.L_overlay_start_1:
0x0: {  	(tag) =	ssettag $0x1  }
0x1: {  	s1 =	rddreg [dreg:$0x0]  }
0x2: {  	s4 =	rddreg [dreg:$0x1]  }
0x3: {  	s5 =	rddreg [dreg:$0x2]  }
0x4: {  	s0 =	rddreg [dreg:$0x3];
	s3 =	simm.s32 $0x0  }
0x5: {  	s6 =	srdreg.scid;
	s2 =	stileid.u32;
	s10 =	simm.s32 $0x280  }
0x6: {  	s11 =	simm.s32 $0x1280;
	s12 =	simm.s32 $0x2280;
	s13 =	simm.s32 $0x3280  }
0x7: {  	v0 =	vlaneseq.u32;
	s14 =	simm.s32 $0x4280;
	s15 =	simm.s32 $0x5280;
	s16 =	simm.s32 $0x6280  }
0x8: {  	s17 =	simm.s32 $0x7280;
	s18 =	simm.s32 $0x1;
	s19 =	simm.s32 $0x10280;
	v0 =	vmul.u32 $0x80, v0  }
0x9: {  	s20 =	simm.s32 $0x0;
	[smem:$0x7FF] =	sst s3;
	s6 =	sand.u32 $0x1, s6  }
.Ltmp0:
0xa: {  	s7 =	sshll.u32 s2, $0x1;
	s8 =	ssub.s32 $0x2, s6;
	v1 =	vor.u32 $0x800, v0;
	v2 =	vor.u32 $0x1000, v0;
	v3 =	vor.u32 $0x1800, v0;
	(pc) =	sbr.rel .LBB2_1-.Ltmp0, $4  }
0xb: {  	_ =	strace $0x80000047;
	s6 =	sor.u32 s6, s7;
	s31 =	sshrl.u32 s8, $0x1;
	v4 =	vor.u32 $0x2000, v0;
	v5 =	vor.u32 $0x2800, v0;
	v6 =	vor.u32 $0x3000, v0  }
0xc: {  	s9 =	sshll.u32 s6, $0x6;
	s6 =	sshll.u32 s6, $0xB;
	v7 =	vor.u32 $0x3800, v0;
	v8 =	vor.u32 $0x4000, v0;
	v9 =	vor.u32 $0x4800, v0;
	s7 =	ssub.s32 s8, s31  }
0xd: {  	v10 =	vor.u32 $0x5000, v0;
	v11 =	vor.u32 $0x5800, v0;
	v12 =	vor.u32 $0x6000, v0;
	s4 =	sadd.s32 s4, s9;
	s5 =	sadd.s32 s5, s6;
	s8 =	simm.s32 $0x7A1400  }
0xe: {  	v13 =	vor.u32 $0x6800, v0;
	v14 =	vor.u32 $0x7000, v0;
	v15 =	vor.u32 $0x7800, v0;
	s9 =	simm.s32 $0x400;
	s6 =	smax.u32 s7, $0x1;
	s7 =	simm.s32 $0x2  }
.LBB2_8:
0xf: {  	s20 =	sadd.s32 $0x1, s20  }
0x10: {  	p0 =	sne.s32 s20, s6  }
.Ltmp1:
0x11: {  	_ = 	snop;
	(pc) =	sbr.rel @!p0 .LBB2_9-.Ltmp1, $4  }
0x12: {  	[hbm4b:s5+s3] =	stream.linear.scatter [tilespmem:s19], [sflag:$0x2], $0x4000, $0x38;
	[tilespmem:$0x14280] =	vst v63  }
0x13: {  	_ =	swait.ge [sflag:s7], $0x4000  }
0x14: {  	[sflag:s7] =	ssyncset.done $0x0  }
0x15: {  	[sflag:s7] =	ssyncadd.s32 $0xFFFFC000  }
.LBB2_1:
.Ltmp2:
0x16: {  	(pc) =	sbr.rel .LBB2_2-.Ltmp2, $4  }
0x17: {  	[tilespmem:s3], [sflag:$0x2] =	stream.linear.gather [hbm4b:s4+s3], $0x200, $0x38;
	[tilespmem:$0x14280] =	vst v63  }
0x18: {  	_ =	swait.ge [sflag:s7], $0x200  }
0x19: {  	[sflag:s7] =	ssyncset.done $0x0  }
0x1a: {  	s22 =	simm.s32 $0x0;
	[sflag:s7] =	ssyncadd.s32 $0xFFFFFE00  }
.LBB2_3:
0x1b: {  	v16 =	vld [tilespmem:$0x0];
	_ =	sdelay $0x4  }
0x1c: {  	(v2sf) =	vpush v16, $0x0;
	_ =	sdelay $0x1  }
0x1d: {  	(v2sf) =	vpush v16, $0x1;
	_ =	sdelay $0x1  }
0x1e: {  	(v2sf) =	vpush v16, $0x2;
	_ =	sdelay $0x2  }
0x1f: {  	(v2sf) =	vpush v16, $0x3;
	_ =	sdelay $0x7  }
0x20: {  	s21 =	spop (v2sf);
	(v2sf) =	vpush v16, $0x4;
	_ =	sdelay $0x1  }
0x21: {  	s24 =	spop (v2sf);
	(v2sf) =	vpush v16, $0x5  }
0x22: {  	s21 =	sand.u32 $0xFFFFF80, s21  }
0x23: {  	s21 =	sadd.s32 s1, s21;
	s25 =	spop (v2sf)  }
0x24: {  	(v2sf) =	vpush v16, $0x6;
	[tilespmem:s10], [sflag:$0x1] =	stream.strided.gather [hbm4b:s21+s9], $0x1000, s8, s9, $0x38;
	[tilespmem:$0x14280] =	vst v63  }
0x25: {  	s21 =	sand.u32 $0xFFFFF80, s24  }
0x26: {  	s26 =	spop (v2sf);
	s21 =	sadd.s32 s1, s21  }
0x27: {  	(v2sf) =	vpush v16, $0x7;
	[tilespmem:s11], [sflag:$0x1] =	stream.strided.gather [hbm4b:s21+s9], $0x1000, s8, s9, $0x38;
	[tilespmem:$0x14280] =	vst v63  }
0x28: {  	s21 =	sand.u32 $0xFFFFF80, s25  }
0x29: {  	s21 =	sadd.s32 s1, s21  }
0x2a: {  	[tilespmem:s12], [sflag:$0x1] =	stream.strided.gather [hbm4b:s21+s9], $0x1000, s8, s9, $0x38;
	[tilespmem:$0x14280] =	vst v63  }
0x2b: {  	s21 =	sand.u32 $0xFFFFF80, s26  }
0x2c: {  	s21 =	sadd.s32 s1, s21  }
0x2d: {  	[tilespmem:s13], [sflag:$0x1] =	stream.strided.gather [hbm4b:s21+s9], $0x1000, s8, s9, $0x38;
	[tilespmem:$0x14280] =	vst v63  }
0x2e: {  	s28 =	spop (v2sf)  }
0x2f: {  	s21 =	sand.u32 $0xFFFFF80, s28  }
0x30: {  	s29 =	spop (v2sf);
	s21 =	sadd.s32 s1, s21  }
0x31: {  	[tilespmem:s14], [sflag:$0x1] =	stream.strided.gather [hbm4b:s21+s9], $0x1000, s8, s9, $0x38;
	[tilespmem:$0x14280] =	vst v63  }
0x32: {  	s21 =	sand.u32 $0xFFFFF80, s29  }
0x33: {  	s30 =	spop (v2sf);
	s21 =	sadd.s32 s1, s21  }
0x34: {  	[tilespmem:s15], [sflag:$0x1] =	stream.strided.gather [hbm4b:s21+s9], $0x1000, s8, s9, $0x38;
	[tilespmem:$0x14280] =	vst v63  }
0x35: {  	s21 =	sand.u32 $0xFFFFF80, s30  }
0x36: {  	s31 =	spop (v2sf);
	s21 =	sadd.s32 s1, s21  }
0x37: {  	[tilespmem:s16], [sflag:$0x1] =	stream.strided.gather [hbm4b:s21+s9], $0x1000, s8, s9, $0x38;
	[tilespmem:$0x14280] =	vst v63  }
0x38: {  	s21 =	sand.u32 $0xFFFFF80, s31  }
0x39: {  	s21 =	sadd.s32 s1, s21  }
0x3a: {  	[tilespmem:s17], [sflag:$0x1] =	stream.strided.gather [hbm4b:s21+s9], $0x1000, s8, s9, $0x38;
	[tilespmem:$0x14280] =	vst v63  }
0x3b: {  	s21 =	simm.s32 $0x1  }
.LBB2_6:
0x3c: {  	s24 =	sshll.u32 s21, $0x3  }
0x3d: {  	s24 =	sand.u32 $0x3FFFFFF8, s24  }
0x3e: {  	v16 =	vld [tilespmem:s24+$0x0];
	_ =	sdelay $0x4  }
0x3f: {  	(v2sf) =	vpush v16, $0x0;
	_ =	sdelay $0x1  }
0x40: {  	(v2sf) =	vpush v16, $0x1;
	_ =	sdelay $0x1  }
0x41: {  	(v2sf) =	vpush v16, $0x2;
	_ =	sdelay $0x2  }
0x42: {  	(v2sf) =	vpush v16, $0x3;
	_ =	sdelay $0x7  }
0x43: {  	s26 =	spop (v2sf);
	(v2sf) =	vpush v16, $0x4;
	_ =	sdelay $0x1  }
0x44: {  	s28 =	spop (v2sf);
	(v2sf) =	vpush v16, $0x5  }
0x45: {  	s25 =	sshll.u32 s23, $0xF;
	s24 =	sand.u32 $0xFFFFF80, s26  }
0x46: {  	s26 =	sxor.u32 $0x8280, s25;
	s24 =	sadd.s32 s1, s24;
	s30 =	spop (v2sf)  }
0x47: {  	(v2sf) =	vpush v16, $0x6;
	[tilespmem:s26], [sflag:$0x1] =	stream.strided.gather [hbm4b:s24+s9], $0x1000, s8, s9, $0x38;
	[tilespmem:$0x14280] =	vst v63  }
0x48: {  	s24 =	sand.u32 $0xFFFFF80, s28  }
0x49: {  	s29 =	sxor.u32 $0x9280, s25;
	s28 =	spop (v2sf);
	s24 =	sadd.s32 s1, s24  }
0x4a: {  	(v2sf) =	vpush v16, $0x7;
	[tilespmem:s29], [sflag:$0x1] =	stream.strided.gather [hbm4b:s24+s9], $0x1000, s8, s9, $0x38;
	[tilespmem:$0x14280] =	vst v63  }
0x4b: {  	s24 =	sand.u32 $0xFFFFF80, s30  }
0x4c: {  	s31 =	sxor.u32 $0xA280, s25;
	s24 =	sadd.s32 s1, s24  }
0x4d: {  	[tilespmem:s31], [sflag:$0x1] =	stream.strided.gather [hbm4b:s24+s9], $0x1000, s8, s9, $0x38;
	[tilespmem:$0x14280] =	vst v63  }
0x4e: {  	s24 =	sand.u32 $0xFFFFF80, s28  }
0x4f: {  	s29 =	sxor.u32 $0xB280, s25;
	s24 =	sadd.s32 s1, s24  }
0x50: {  	[tilespmem:s29], [sflag:$0x1] =	stream.strided.gather [hbm4b:s24+s9], $0x1000, s8, s9, $0x38;
	[tilespmem:$0x14280] =	vst v63  }
0x51: {  	s30 =	spop (v2sf)  }
0x52: {  	s24 =	sand.u32 $0xFFFFF80, s30  }
0x53: {  	s31 =	sxor.u32 $0xC280, s25;
	s26 =	spop (v2sf);
	s24 =	sadd.s32 s1, s24  }
0x54: {  	[tilespmem:s31], [sflag:$0x1] =	stream.strided.gather [hbm4b:s24+s9], $0x1000, s8, s9, $0x38;
	[tilespmem:$0x14280] =	vst v63  }
0x55: {  	s24 =	sand.u32 $0xFFFFF80, s26  }
0x56: {  	s28 =	sxor.u32 $0xD280, s25;
	s29 =	spop (v2sf);
	s24 =	sadd.s32 s1, s24  }
0x57: {  	[tilespmem:s28], [sflag:$0x1] =	stream.strided.gather [hbm4b:s24+s9], $0x1000, s8, s9, $0x38;
	[tilespmem:$0x14280] =	vst v63  }
0x58: {  	s24 =	sand.u32 $0xFFFFF80, s29  }
0x59: {  	s30 =	sxor.u32 $0xE280, s25;
	s31 =	spop (v2sf);
	s24 =	sadd.s32 s1, s24  }
0x5a: {  	[tilespmem:s30], [sflag:$0x1] =	stream.strided.gather [hbm4b:s24+s9], $0x1000, s8, s9, $0x38;
	[tilespmem:$0x14280] =	vst v63  }
0x5b: {  	s24 =	sand.u32 $0xFFFFF80, s31  }
0x5c: {  	s25 =	sxor.u32 $0xF280, s25;
	s24 =	sadd.s32 s1, s24  }
0x5d: {  	[tilespmem:s25], [sflag:$0x1] =	stream.strided.gather [hbm4b:s24+s9], $0x1000, s8, s9, $0x38;
	[tilespmem:$0x14280] =	vst v63  }
.LBB2_7:
0x5e: {  	s24 =	sshll.u32 s22, $0x3  }
0x5f: {  	s24 =	sand.u32 $0x3FFFFFF8, s24  }
0x60: {  	v16 =	vld [tilespmem:s24+$0x0];
	_ =	sdelay $0x3  }
0x61: {  	_ =	swait.ge [sflag:s18], $0x1000  }
0x62: {  	(v2sf) =	vpush v16, $0x0;
	_ =	sdelay $0xe  }
0x63: {  	s29 =	spop (v2sf)  }
0x64: {  	s23 =	sshll.u32 s23, $0xF;
	s24 =	sand.u32 $0x7F, s29  }
0x65: {  	s24 =	sor.u32 s23, s24  }
0x66: {  	v17 =	vor.u32 s24, v0  }
0x67: {  	v18 =	vor.u32 s24, v1;
	_ =	sdelay $0x1  }
0x68: {  	[sflag:s18] =	ssyncset.done $0x0  }
0x69: {  	[sflag:s18] =	ssyncadd.s32 $0xFFFFF000  }
0x6a: {  	v17 =	vld.idx.msk [tilespmem:v17+s10+$0x0], $0xffff  }
0x6b: {  	v18 =	vld.idx.msk [tilespmem:v18+s10+$0x0], $0xffff;
	_ =	sdelay $0x1  }
0x6c: {  	s30 =	sshll.u32 s22, $0x8  }
0x6d: {  	s22 =	sand.u32 $0x3FFFFF00, s30  }
0x6e: {  	[tilespmem:s22+$0x10280] =	vst v17  }
0x6f: {  	[tilespmem:s22+$0x10290] =	vst v18  }
0x70: {  	_ =	swait.ge [sflag:s18], $0x1000  }
0x71: {  	(v2sf) =	vpush v16, $0x1;
	_ =	sdelay $0xe  }
0x72: {  	s31 =	spop (v2sf)  }
0x73: {  	s24 =	sand.u32 $0x7F, s31  }
0x74: {  	s24 =	sor.u32 s23, s24  }
0x75: {  	v17 =	vor.u32 s24, v2  }
0x76: {  	v58 =	vor.u32 s24, v3;
	_ =	sdelay $0x1  }
0x77: {  	[sflag:s18] =	ssyncset.done $0x0  }
0x78: {  	[sflag:s18] =	ssyncadd.s32 $0xFFFFF000  }
0x79: {  	v17 =	vld.idx.msk [tilespmem:v17+s10+$0x0], $0xffff  }
0x7a: {  	v18 =	vld.idx.msk [tilespmem:v58+s10+$0x0], $0xffff;
	_ =	sdelay $0x3  }
0x7b: {  	[tilespmem:s22+$0x102A0] =	vst v17  }
0x7c: {  	[tilespmem:s22+$0x102B0] =	vst v18  }
0x7d: {  	_ =	swait.ge [sflag:s18], $0x1000  }
0x7e: {  	(v2sf) =	vpush v16, $0x2;
	_ =	sdelay $0xe  }
0x7f: {  	s25 =	spop (v2sf)  }
0x80: {  	s24 =	sand.u32 $0x7F, s25  }
0x81: {  	s24 =	sor.u32 s23, s24  }
0x82: {  	v17 =	vor.u32 s24, v4  }
0x83: {  	v59 =	vor.u32 s24, v5;
	_ =	sdelay $0x1  }
0x84: {  	[sflag:s18] =	ssyncset.done $0x0  }
0x85: {  	[sflag:s18] =	ssyncadd.s32 $0xFFFFF000  }
0x86: {  	v17 =	vld.idx.msk [tilespmem:v17+s10+$0x0], $0xffff  }
0x87: {  	v18 =	vld.idx.msk [tilespmem:v59+s10+$0x0], $0xffff;
	_ =	sdelay $0x3  }
0x88: {  	[tilespmem:s22+$0x102C0] =	vst v17  }
0x89: {  	[tilespmem:s22+$0x102D0] =	vst v18  }
0x8a: {  	_ =	swait.ge [sflag:s18], $0x1000  }
0x8b: {  	(v2sf) =	vpush v16, $0x3;
	_ =	sdelay $0xe  }
0x8c: {  	s26 =	spop (v2sf)  }
0x8d: {  	s24 =	sand.u32 $0x7F, s26  }
0x8e: {  	s24 =	sor.u32 s23, s24  }
0x8f: {  	v17 =	vor.u32 s24, v6  }
0x90: {  	v60 =	vor.u32 s24, v7;
	_ =	sdelay $0x1  }
0x91: {  	[sflag:s18] =	ssyncset.done $0x0  }
0x92: {  	[sflag:s18] =	ssyncadd.s32 $0xFFFFF000  }
0x93: {  	v17 =	vld.idx.msk [tilespmem:v17+s10+$0x0], $0xffff  }
0x94: {  	v18 =	vld.idx.msk [tilespmem:v60+s10+$0x0], $0xffff;
	_ =	sdelay $0x3  }
0x95: {  	[tilespmem:s22+$0x102E0] =	vst v17  }
0x96: {  	[tilespmem:s22+$0x102F0] =	vst v18  }
0x97: {  	_ =	swait.ge [sflag:s18], $0x1000  }
0x98: {  	(v2sf) =	vpush v16, $0x4;
	_ =	sdelay $0xe  }
0x99: {  	s28 =	spop (v2sf)  }
0x9a: {  	s24 =	sand.u32 $0x7F, s28  }
0x9b: {  	s24 =	sor.u32 s23, s24  }
0x9c: {  	v17 =	vor.u32 s24, v8  }
0x9d: {  	v61 =	vor.u32 s24, v9;
	_ =	sdelay $0x1  }
0x9e: {  	[sflag:s18] =	ssyncset.done $0x0  }
0x9f: {  	[sflag:s18] =	ssyncadd.s32 $0xFFFFF000  }
0xa0: {  	v17 =	vld.idx.msk [tilespmem:v17+s10+$0x0], $0xffff  }
0xa1: {  	v18 =	vld.idx.msk [tilespmem:v61+s10+$0x0], $0xffff;
	_ =	sdelay $0x3  }
0xa2: {  	[tilespmem:s22+$0x10300] =	vst v17  }
0xa3: {  	[tilespmem:s22+$0x10310] =	vst v18  }
0xa4: {  	_ =	swait.ge [sflag:s18], $0x1000  }
0xa5: {  	(v2sf) =	vpush v16, $0x5;
	_ =	sdelay $0xe  }
0xa6: {  	s29 =	spop (v2sf)  }
0xa7: {  	s24 =	sand.u32 $0x7F, s29  }
0xa8: {  	s24 =	sor.u32 s23, s24  }
0xa9: {  	v17 =	vor.u32 s24, v10  }
0xaa: {  	v62 =	vor.u32 s24, v11;
	_ =	sdelay $0x1  }
0xab: {  	[sflag:s18] =	ssyncset.done $0x0  }
0xac: {  	[sflag:s18] =	ssyncadd.s32 $0xFFFFF000  }
0xad: {  	v17 =	vld.idx.msk [tilespmem:v17+s10+$0x0], $0xffff  }
0xae: {  	v18 =	vld.idx.msk [tilespmem:v62+s10+$0x0], $0xffff;
	_ =	sdelay $0x3  }
0xaf: {  	[tilespmem:s22+$0x10320] =	vst v17  }
0xb0: {  	[tilespmem:s22+$0x10330] =	vst v18  }
0xb1: {  	_ =	swait.ge [sflag:s18], $0x1000  }
0xb2: {  	(v2sf) =	vpush v16, $0x6;
	_ =	sdelay $0xe  }
0xb3: {  	s30 =	spop (v2sf)  }
0xb4: {  	s24 =	sand.u32 $0x7F, s30  }
0xb5: {  	s24 =	sor.u32 s23, s24  }
0xb6: {  	v17 =	vor.u32 s24, v12  }
0xb7: {  	v63 =	vor.u32 s24, v13;
	_ =	sdelay $0x1  }
0xb8: {  	[sflag:s18] =	ssyncset.done $0x0  }
0xb9: {  	[sflag:s18] =	ssyncadd.s32 $0xFFFFF000  }
0xba: {  	v17 =	vld.idx.msk [tilespmem:v17+s10+$0x0], $0xffff  }
0xbb: {  	v18 =	vld.idx.msk [tilespmem:v63+s10+$0x0], $0xffff;
	_ =	sdelay $0x3  }
0xbc: {  	[tilespmem:s22+$0x10340] =	vst v17  }
0xbd: {  	[tilespmem:s22+$0x10350] =	vst v18  }
0xbe: {  	_ =	swait.ge [sflag:s18], $0x1000  }
0xbf: {  	(v2sf) =	vpush v16, $0x7;
	_ =	sdelay $0xe  }
0xc0: {  	s31 =	spop (v2sf)  }
0xc1: {  	s24 =	sand.u32 $0x7F, s31  }
0xc2: {  	s23 =	sor.u32 s23, s24  }
0xc3: {  	v16 =	vor.u32 s23, v14  }
0xc4: {  	v17 =	vor.u32 s23, v15;
	_ =	sdelay $0x1  }
0xc5: {  	[sflag:s18] =	ssyncset.done $0x0  }
0xc6: {  	[sflag:s18] =	ssyncadd.s32 $0xFFFFF000  }
0xc7: {  	v16 =	vld.idx.msk [tilespmem:v16+s10+$0x0], $0xffff  }
0xc8: {  	p0 =	slt.u32 s21, $0x40;
	v17 =	vld.idx.msk [tilespmem:v17+s10+$0x0], $0xffff  }
.Ltmp3:
0xc9: {  	_ = 	snop;
	(pc) =	sbr.rel @!p0 .LBB2_8-.Ltmp3, $3  }
0xca: {  	_ =	sdelay $0x1  }
0xcb: {  	[tilespmem:s22+$0x10360] =	vst v16  }
0xcc: {  	[tilespmem:s22+$0x10370] =	vst v17;
	s22 =	smov.u32 s21  }
.LBB2_2:
0xcd: {  	p0 =	sne.s32 s22, $0x0  }
.Ltmp4:
0xce: {  	_ = 	snop;
	(pc) =	sbr.rel @!p0 .LBB2_3-.Ltmp4, $2  }
0xcf: {  	_ =	sdelay $0x2  }
0xd0: {  	s23 =	sand.u32 $0x1, s22  }
0xd1: {  	p0 =	seq.s32 s22, $0x3F  }
.Ltmp5:
0xd2: {  	_ = 	snop;
	(pc) =	sbr.rel @p0 .LBB2_7-.Ltmp5, $2  }
0xd3: {  	_ =	sdelay $0x2  }
0xd4: {  	s21 =	simm.s32 $0x40  }
.Ltmp6:
0xd5: {  	(pc) =	sbr.rel .LBB2_6-.Ltmp6, $2  }
0xd6: {  	_ =	sdelay $0x2  }
0xd7: {  	s21 =	sadd.s32 $0x1, s22  }
.LBB2_9:
0xd8: {  	_ =	sfence.sel $0x180000  }
0xd9: {  	[bflag:$0x0] =	sbarrier.arrive $0xFFFF  }
0xda: {  	p0 =	sne.s32 s2, $0x0;
	_ =	strace $0x90000047  }
0xdb: {  	s0 =	sadd.s32 @!p0 $0x100000, s0;
	[bflag:$0x2] =	sbarrier.arrive $0xFFFF  }
0xdc: {  	[sflag:s0] =	ssyncadd.tile.s32 @!p0 $0x1;
	_ =	shalt  }
.Lfunc_end2:
_tile_overlayer_lowered:
.L_overlay_start_2:
0xdd: {  	(tag) =	ssettag $0x2  }
0xde: {  	s0 =	rddreg [dreg:$0x0];
	s2 =	stileid.u32  }
0xdf: {  	s1 =	rddreg [dreg:$0x1];
	p0 =	sne.s32 s2, $0x0  }
0xe0: {  	s3 =	rddreg [dreg:$0x2];
	[bflag:$0x3] =	sbarrier.arrive $0xFFFF;
	s2 =	simm.s32 @!p0 $0x1C02  }
0xe1: {  	[timem:s3], [sflag:s2] =	dma.local @!p0 [hbm:s0], s1  }
0xe2: {  	s0 =	simm.s32 @!p0 $0x2  }
0xe3: {  	_ =	swait.ge @!p0 [sflag:s0], s1  }
0xe4: {  	s1 =	ssub.s32 @!p0 $0x0, s1;
	[sflag:s0] =	ssyncset.done @!p0 $0x0  }
0xe5: {  	[sflag:s0] =	ssyncadd.s32 @!p0 s1  }
0xe6: {  	[bflag:$0x3] =	sbarrier.arrive $0xFFFF  }
0xe7: {  	_ =	shalt  }

</sc_bundles>
